<compile_context>
chip_gen: v7x
topology: tpu7x:2x2x1
jax: 0.10.2.dev20260603
libtpu: 0.0.44.dev20260713+nightly
codegen_flags: <defaults>
</compile_context>

<pallas_src>
import functools

import jax
import jax.numpy as jnp
from jax import lax
from jax.experimental import pallas as pl
from jax.experimental.pallas import tpu as pltpu
from jax.experimental.pallas import tpu_sc as plsc

T = 128
HK = 6
RING = 3


def _route_body(x_ref, gw_ref, gb_ref, dest_ref, val_ref, ntl_ref, off_ref,
                *, n, e):
    f32 = jnp.float32
    x = x_ref[...]
    logits = lax.dot_general(x, gw_ref[...],
                             dimension_numbers=(((1,), (1,)), ((), ())),
                             preferred_element_type=f32)
    logits = logits + gb_ref[...]
    m = jnp.max(logits, axis=1, keepdims=True)
    p = jnp.exp(logits - m)
    probs = p / jnp.sum(p, axis=1, keepdims=True)
    maxp = jnp.max(probs, axis=1, keepdims=True)
    e_iota = lax.broadcasted_iota(jnp.int32, (n, e), 1).astype(f32)
    idx = jnp.min(jnp.where(probs == maxp, e_iota, f32(e)), axis=1,
                  keepdims=True)
    onehot = (e_iota == idx).astype(f32)
    lower = (lax.broadcasted_iota(jnp.int32, (n, n), 0) >=
             lax.broadcasted_iota(jnp.int32, (n, n), 1)).astype(jnp.bfloat16)
    csum = jnp.dot(lower, onehot.astype(jnp.bfloat16),
                   preferred_element_type=f32)
    cnt = csum[n - 1:n, :]
    ntiles = jnp.floor((cnt + (T - 1)) * (1.0 / T))
    strictly_less = (lax.broadcasted_iota(jnp.int32, (e, e), 0) <
                     lax.broadcasted_iota(jnp.int32, (e, e), 1)).astype(f32)
    tile_off = jnp.dot(ntiles, strictly_less,
                       preferred_element_type=f32)
    slot_off = tile_off * T
    pos = jnp.sum(onehot * csum, axis=1, keepdims=True) - 1.0
    dest = jnp.sum(onehot * slot_off, axis=1, keepdims=True) + pos
    dest_ref[...] = dest.astype(jnp.int32)
    val_ref[...] = jnp.broadcast_to(maxp, (n, 128))
    ntl_ref[...] = ntiles.astype(jnp.int32)
    off_ref[...] = tile_off.astype(jnp.int32)


def _moe_body(ntl_ref, off_ref, xs_ref, vs_ref, b1_ref, b2_ref, w1_hbm,
              w2_hbm, y_ref, w1buf, w2buf, sem1, sem2, *, d, hc, out, e):
    nsteps = HK * e

    def copies(s, slot):
        k = s // e
        ei = s % e
        koff = k * hc
        if not isinstance(koff, int):
            koff = pl.multiple_of(koff, 128)
        c1 = pltpu.make_async_copy(
            w1_hbm.at[ei, :, pl.ds(koff, hc)], w1buf.at[slot], sem1.at[slot])
        c2 = pltpu.make_async_copy(
            w2_hbm.at[ei, pl.ds(koff, hc), :], w2buf.at[slot], sem2.at[slot])
        return c1, c2

    for s in range(RING - 1):
        for c in copies(s, s):
            c.start()

    def step(s, carry):
        ahead = s + RING - 1
        slot_ahead = lax.rem(ahead, RING)

        @pl.when(ahead < nsteps)
        def _():
            for c in copies(ahead, slot_ahead):
                c.start()

        slot = lax.rem(s, RING)
        for c in copies(s, slot):
            c.wait()
        k = s // e
        ei = lax.rem(s, e)
        n_t = ntl_ref[0, ei]
        start = off_ref[0, ei] * T
        w1 = w1buf[pl.ds(slot, 1)].reshape(d, hc)
        w2 = w2buf[pl.ds(slot, 1)].reshape(hc, out)
        b1 = b1_ref[pl.ds(ei * HK + k, 1), :]
        b2 = b2_ref[pl.ds(ei, 1), :]

        def body(i, c):
            row = pl.ds(pl.multiple_of(start + i * T, T), T)
            xv = xs_ref[row, :]
            h = jnp.dot(xv, w1, precision=lax.Precision.DEFAULT,
                        preferred_element_type=jnp.float32) + b1
            h = jnp.maximum(h, 0.0)
            part = jnp.dot(h, w2, precision=lax.Precision.DEFAULT,
                           preferred_element_type=jnp.float32)
            val = vs_ref[row, 0:1]
            part = part * val

            @pl.when(k == 0)
            def _():
                y_ref[row, :] = part + val * b2

            @pl.when(k != 0)
            def _():
                y_ref[row, :] += part

            return c

        lax.fori_loop(0, n_t, body, 0)
        return carry

    lax.fori_loop(0, nsteps, step, 0)


def kernel(x, gate_W, gate_b, W1, b1, W2, b2):
    n, d = x.shape
    e, _, h = W1.shape
    out = W2.shape[2]
    nt = n // T + e
    npad = nt * T
    hc = h // HK

    dest2, valb, ntl2, off2 = pl.pallas_call(
        functools.partial(_route_body, n=n, e=e),
        out_shape=(
            jax.ShapeDtypeStruct((n, 1), jnp.int32),
            jax.ShapeDtypeStruct((n, 128), jnp.float32),
            jax.ShapeDtypeStruct((1, e), jnp.int32),
            jax.ShapeDtypeStruct((1, e), jnp.int32),
        ),
    )(x, gate_W, gate_b.reshape(1, e))
    dest = dest2.reshape(n)

    info = plsc.get_sparse_core_info()
    nw = info.num_cores * info.num_subcores
    chunk = n // nw
    mesh = plsc.VectorSubcoreMesh(core_axis_name="c", subcore_axis_name="s")

    @functools.partial(
        pl.kernel, mesh=mesh,
        out_type=(
            jax.ShapeDtypeStruct((npad, d), jnp.float32),
            jax.ShapeDtypeStruct((npad, 128), jnp.float32),
        ),
        scratch_types=[
            pltpu.VMEM((chunk,), jnp.int32),
            pltpu.VMEM((chunk, d), jnp.float32),
            pltpu.VMEM((chunk, 128), jnp.float32),
            pltpu.SemaphoreType.DMA,
        ],
    )
    def _scatter_sc(x_hbm, v_hbm, dest_hbm, xs_hbm, vs_hbm,
                    idx_v, xrows_v, vrows_v, sem):
        wid = lax.axis_index("s") * info.num_cores + lax.axis_index("c")
        base = wid * chunk
        pltpu.sync_copy(dest_hbm.at[pl.ds(base, chunk)], idx_v)
        pltpu.sync_copy(x_hbm.at[pl.ds(base, chunk)], xrows_v)
        pltpu.sync_copy(v_hbm.at[pl.ds(base, chunk)], vrows_v)
        pltpu.async_copy(xrows_v, xs_hbm.at[idx_v], sem).wait()
        pltpu.async_copy(vrows_v, vs_hbm.at[idx_v], sem).wait()

    xs, vs = _scatter_sc(x, valb, dest)

    ys = pl.pallas_call(
        functools.partial(_moe_body, d=d, hc=hc, out=out, e=e),
        in_specs=[
            pl.BlockSpec(memory_space=pltpu.SMEM),
            pl.BlockSpec(memory_space=pltpu.SMEM),
            pl.BlockSpec(memory_space=pltpu.VMEM),
            pl.BlockSpec(memory_space=pltpu.VMEM),
            pl.BlockSpec(memory_space=pltpu.VMEM),
            pl.BlockSpec(memory_space=pltpu.VMEM),
            pl.BlockSpec(memory_space=pltpu.MemorySpace.HBM),
            pl.BlockSpec(memory_space=pltpu.MemorySpace.HBM),
        ],
        out_specs=pl.BlockSpec(memory_space=pltpu.VMEM),
        out_shape=jax.ShapeDtypeStruct((npad, out), jnp.float32),
        scratch_shapes=[
            pltpu.VMEM((RING, d, hc), jnp.float32),
            pltpu.VMEM((RING, hc, out), jnp.float32),
            pltpu.SemaphoreType.DMA((RING,)),
            pltpu.SemaphoreType.DMA((RING,)),
        ],
    )(ntl2, off2, xs, vs, b1.reshape(e * HK, hc), b2, W1, W2)

    @functools.partial(
        pl.kernel, mesh=mesh,
        out_type=jax.ShapeDtypeStruct((n, out), jnp.float32),
        scratch_types=[
            pltpu.VMEM((chunk,), jnp.int32),
            pltpu.VMEM((chunk, out), jnp.float32),
            pltpu.SemaphoreType.DMA,
        ],
    )
    def _gather_sc(ys_hbm, dest_hbm, y_hbm, idx_v, rows_v, sem):
        wid = lax.axis_index("s") * info.num_cores + lax.axis_index("c")
        base = wid * chunk
        pltpu.sync_copy(dest_hbm.at[pl.ds(base, chunk)], idx_v)
        pltpu.async_copy(ys_hbm.at[idx_v], rows_v, sem).wait()
        pltpu.sync_copy(rows_v, y_hbm.at[pl.ds(base, chunk)])

    return _gather_sc(ys, dest)

# --- scband reference (transcript-rebuilt; emitter-appended) ---
"""Pipeline reference for scband-mo-e-41016937677224 (READ-ONLY COPY).

The authoritative reference and input builder live on the scoring server;
editing this copy changes nothing except your own understanding.
"""

import jax, jax.numpy as jnp
import numpy as np

D = 768
OUT = 768
E = 8
H = D * 10
N = 2048


def setup_inputs(seed: int = 0) -> dict:
    key = jax.random.key(seed)
    ks = jax.random.split(key, 8)
    x = jax.random.normal(ks[0], (N, D), dtype=jnp.float32)
    gate_W = jax.random.normal(ks[1], (E, D), dtype=jnp.float32) * 0.02
    gate_b = jnp.zeros((E,), dtype=jnp.float32)
    W1 = jax.random.normal(ks[2], (E, D, H), dtype=jnp.float32) * 0.02
    b1 = jnp.zeros((E, H), dtype=jnp.float32)
    W2 = jax.random.normal(ks[3], (E, H, OUT), dtype=jnp.float32) * 0.02
    b2 = jnp.zeros((E, OUT), dtype=jnp.float32)
    return {"x": x, "gate_W": gate_W, "gate_b": gate_b, "W1": W1, "b1": b1, "W2": W2, "b2": b2}


def reference(x, gate_W, gate_b, W1, b1, W2, b2):
    # gate: nn.Linear(input_dim, num_experts)
    gate_logits = x @ gate_W.T + gate_b                      # [N, E]
    gate_probs = jax.nn.softmax(gate_logits, axis=1)         # [N, E]
    top_vals, top_idx = jax.lax.top_k(gate_probs, 1)         # [N, 1], [N, 1]
    # zero everything except the top-1 expert weight (scatter_)
    rows = jnp.arange(gate_probs.shape[0])[:, None]
    sparse_probs = jnp.zeros_like(gate_probs).at[rows, top_idx].set(top_vals)  # [N, E]
    # all experts run on all tokens (dense MoE, as in the torch reference)
    hidden = jnp.einsum('nd,edh->neh', x, W1) + b1[None, :, :]     # [N, E, H]
    hidden = jax.nn.relu(hidden)
    expert_out = jnp.einsum('neh,eho->neo', hidden, W2) + b2[None, :, :]  # [N, E, OUT]
    # bmm(gate_probs.unsqueeze(1), expert_outputs).squeeze(1)
    weighted = jnp.einsum('ne,neo->no', sparse_probs, expert_out)  # [N, OUT]
    return weighted

if __name__ == "__main__":
    import jax
    _d = setup_inputs()
    print(jax.jit(kernel)(*tuple(_d.values())))

</pallas_src>

<mosaic_0001>
#map = affine_map<(d0, d1) -> (0, 0)>
#map1 = affine_map<(d0, d1) -> (0)>
module attributes {stable_mosaic.version = 14 : i64} {
  func.func @_scatter_sc(%arg0: i32, %arg1: i32, %arg2: memref<2048x768xf32, #tpu.memory_space<hbm>>, %arg3: memref<2048x128xf32, #tpu.memory_space<hbm>>, %arg4: memref<2048xi32, #tpu.memory_space<hbm>>, %arg5: memref<3072x768xf32, #tpu.memory_space<hbm>>, %arg6: memref<3072x128xf32, #tpu.memory_space<hbm>>, %arg7: memref<64xi32, #tpu.memory_space<vmem>>, %arg8: memref<64x768xf32, #tpu.memory_space<vmem>>, %arg9: memref<64x128xf32, #tpu.memory_space<vmem>>, %arg10: memref<!tpu.dma_semaphore, #tpu.memory_space<semaphore_mem>>) attributes {dimension_semantics = [#tpu.dimension_semantics<core_parallel>, #tpu.dimension_semantics<subcore_parallel>], iteration_bounds = array<i64: 2, 16>, scalar_prefetch = 0 : i64, scratch_operands = 4 : i64, tpu.core_type = #tpu.core_type<sc_vector_subcore>, window_params = [{transform_indices = #map}, {transform_indices = #map}, {transform_indices = #map1}, {transform_indices = #map}, {transform_indices = #map}]} {
    %mul3A = arith.constant 2 : i32
    %mul3A_0 = arith.muli %arg1, %mul3A : i32
    %add3A = arith.addi %mul3A_0, %arg0 : i32
    %mul3A_1 = arith.constant 64 : i32
    %mul3A_2 = arith.muli %add3A, %mul3A_1 : i32
    "tpu.region"() ({
      %run_scoped3A = tpu.sem_alloc : memref<!tpu.dma_semaphore, #tpu.memory_space<semaphore_mem>>
      %dma_start3A_13 = tpu.memref_slice %arg4[%mul3A_2] : memref<2048xi32, #tpu.memory_space<hbm>> -> memref<64xi32, #tpu.memory_space<hbm>>
      %dma_start3A_14 = tpu.memref_slice %arg4[%mul3A_2] : memref<2048xi32, #tpu.memory_space<hbm>> -> memref<64xi32, #tpu.memory_space<hbm>>
      tpu.enqueue_dma source(%dma_start3A_14 : memref<64xi32, #tpu.memory_space<hbm>>) target(%arg7 : memref<64xi32, #tpu.memory_space<vmem>>) target_semaphore(%run_scoped3A : memref<!tpu.dma_semaphore, #tpu.memory_space<semaphore_mem>>)
      %dma_wait3A_15 = tpu.memref_slice %arg4[%mul3A_2] : memref<2048xi32, #tpu.memory_space<hbm>> -> memref<64xi32, #tpu.memory_space<hbm>>
      %dma_wait3A_16 = tpu.memref_slice %arg4[%mul3A_2] : memref<2048xi32, #tpu.memory_space<hbm>> -> memref<64xi32, #tpu.memory_space<hbm>>
      tpu.wait_dma2 semaphore(%run_scoped3A : memref<!tpu.dma_semaphore, #tpu.memory_space<semaphore_mem>>) src(%dma_wait3A_16 : memref<64xi32, #tpu.memory_space<hbm>>) dst(%arg7 : memref<64xi32, #tpu.memory_space<vmem>>)
      tpu.yield
    }) : () -> ()
    "tpu.region"() ({
      %run_scoped3A = tpu.sem_alloc : memref<!tpu.dma_semaphore, #tpu.memory_space<semaphore_mem>>
      %dma_start3A_13 = arith.constant 0 : i32
      %dma_start3A_14 = tpu.memref_slice %arg2[%mul3A_2, %dma_start3A_13] : memref<2048x768xf32, #tpu.memory_space<hbm>> -> memref<64x768xf32, #tpu.memory_space<hbm>>
      %dma_start3A_15 = arith.constant 0 : i32
      %dma_start3A_16 = tpu.memref_slice %arg2[%mul3A_2, %dma_start3A_15] : memref<2048x768xf32, #tpu.memory_space<hbm>> -> memref<64x768xf32, #tpu.memory_space<hbm>>
      tpu.enqueue_dma source(%dma_start3A_16 : memref<64x768xf32, #tpu.memory_space<hbm>>) target(%arg8 : memref<64x768xf32, #tpu.memory_space<vmem>>) target_semaphore(%run_scoped3A : memref<!tpu.dma_semaphore, #tpu.memory_space<semaphore_mem>>)
      %dma_wait3A_17 = arith.constant 0 : i32
      %dma_wait3A_18 = tpu.memref_slice %arg2[%mul3A_2, %dma_wait3A_17] : memref<2048x768xf32, #tpu.memory_space<hbm>> -> memref<64x768xf32, #tpu.memory_space<hbm>>
      %dma_wait3A_19 = arith.constant 0 : i32
      %dma_wait3A_20 = tpu.memref_slice %arg2[%mul3A_2, %dma_wait3A_19] : memref<2048x768xf32, #tpu.memory_space<hbm>> -> memref<64x768xf32, #tpu.memory_space<hbm>>
      tpu.wait_dma2 semaphore(%run_scoped3A : memref<!tpu.dma_semaphore, #tpu.memory_space<semaphore_mem>>) src(%dma_wait3A_20 : memref<64x768xf32, #tpu.memory_space<hbm>>) dst(%arg8 : memref<64x768xf32, #tpu.memory_space<vmem>>)
      tpu.yield
    }) : () -> ()
    "tpu.region"() ({
      %run_scoped3A = tpu.sem_alloc : memref<!tpu.dma_semaphore, #tpu.memory_space<semaphore_mem>>
      %dma_start3A_13 = arith.constant 0 : i32
      %dma_start3A_14 = tpu.memref_slice %arg3[%mul3A_2, %dma_start3A_13] : memref<2048x128xf32, #tpu.memory_space<hbm>> -> memref<64x128xf32, #tpu.memory_space<hbm>>
      %dma_start3A_15 = arith.constant 0 : i32
      %dma_start3A_16 = tpu.memref_slice %arg3[%mul3A_2, %dma_start3A_15] : memref<2048x128xf32, #tpu.memory_space<hbm>> -> memref<64x128xf32, #tpu.memory_space<hbm>>
      tpu.enqueue_dma source(%dma_start3A_16 : memref<64x128xf32, #tpu.memory_space<hbm>>) target(%arg9 : memref<64x128xf32, #tpu.memory_space<vmem>>) target_semaphore(%run_scoped3A : memref<!tpu.dma_semaphore, #tpu.memory_space<semaphore_mem>>)
      %dma_wait3A_17 = arith.constant 0 : i32
      %dma_wait3A_18 = tpu.memref_slice %arg3[%mul3A_2, %dma_wait3A_17] : memref<2048x128xf32, #tpu.memory_space<hbm>> -> memref<64x128xf32, #tpu.memory_space<hbm>>
      %dma_wait3A_19 = arith.constant 0 : i32
      %dma_wait3A_20 = tpu.memref_slice %arg3[%mul3A_2, %dma_wait3A_19] : memref<2048x128xf32, #tpu.memory_space<hbm>> -> memref<64x128xf32, #tpu.memory_space<hbm>>
      tpu.wait_dma2 semaphore(%run_scoped3A : memref<!tpu.dma_semaphore, #tpu.memory_space<semaphore_mem>>) src(%dma_wait3A_20 : memref<64x128xf32, #tpu.memory_space<hbm>>) dst(%arg9 : memref<64x128xf32, #tpu.memory_space<vmem>>)
      tpu.yield
    }) : () -> ()
    %dma_start3A = arith.constant 0 : i32
    %dma_start3A_3 = arith.constant 0 : i32
    %dma_start3A_4 = tpu.memref_slice %arg5[%dma_start3A, %dma_start3A_3] : memref<3072x768xf32, #tpu.memory_space<hbm>> -> memref<3072x768xf32, #tpu.memory_space<hbm>>
    tpu.enqueue_indirect_dma source(%arg8 : memref<64x768xf32, #tpu.memory_space<vmem>>) target(%dma_start3A_4 : memref<3072x768xf32, #tpu.memory_space<hbm>>) offsets(%arg7 : memref<64xi32, #tpu.memory_space<vmem>>) semaphore(%arg10 : memref<!tpu.dma_semaphore, #tpu.memory_space<semaphore_mem>>)
    %dma_wait3A = arith.constant 0 : i32
    %dma_wait3A_5 = arith.constant 0 : i32
    %dma_wait3A_6 = tpu.memref_slice %arg5[%dma_wait3A, %dma_wait3A_5] : memref<3072x768xf32, #tpu.memory_space<hbm>> -> memref<3072x768xf32, #tpu.memory_space<hbm>>
    tpu.wait_indirect_dma semaphore(%arg10 : memref<!tpu.dma_semaphore, #tpu.memory_space<semaphore_mem>>) src(%arg8 : memref<64x768xf32, #tpu.memory_space<vmem>>) dst(%dma_wait3A_6 : memref<3072x768xf32, #tpu.memory_space<hbm>>)
    %dma_start3A_7 = arith.constant 0 : i32
    %dma_start3A_8 = arith.constant 0 : i32
    %dma_start3A_9 = tpu.memref_slice %arg6[%dma_start3A_7, %dma_start3A_8] : memref<3072x128xf32, #tpu.memory_space<hbm>> -> memref<3072x128xf32, #tpu.memory_space<hbm>>
    tpu.enqueue_indirect_dma source(%arg9 : memref<64x128xf32, #tpu.memory_space<vmem>>) target(%dma_start3A_9 : memref<3072x128xf32, #tpu.memory_space<hbm>>) offsets(%arg7 : memref<64xi32, #tpu.memory_space<vmem>>) semaphore(%arg10 : memref<!tpu.dma_semaphore, #tpu.memory_space<semaphore_mem>>)
    %dma_wait3A_10 = arith.constant 0 : i32
    %dma_wait3A_11 = arith.constant 0 : i32
    %dma_wait3A_12 = tpu.memref_slice %arg6[%dma_wait3A_10, %dma_wait3A_11] : memref<3072x128xf32, #tpu.memory_space<hbm>> -> memref<3072x128xf32, #tpu.memory_space<hbm>>
    tpu.wait_indirect_dma semaphore(%arg10 : memref<!tpu.dma_semaphore, #tpu.memory_space<semaphore_mem>>) src(%arg9 : memref<64x128xf32, #tpu.memory_space<vmem>>) dst(%dma_wait3A_12 : memref<3072x128xf32, #tpu.memory_space<hbm>>)
    return
  }
}

#map = affine_map<(d0, d1) -> (0, 0)>
#map1 = affine_map<(d0, d1) -> (0)>
module attributes {stable_mosaic.version = 14 : i64} {
  func.func @_gather_sc(%arg0: i32, %arg1: i32, %arg2: memref<3072x768xf32, #tpu.memory_space<hbm>>, %arg3: memref<2048xi32, #tpu.memory_space<hbm>>, %arg4: memref<2048x768xf32, #tpu.memory_space<hbm>>, %arg5: memref<64xi32, #tpu.memory_space<vmem>>, %arg6: memref<64x768xf32, #tpu.memory_space<vmem>>, %arg7: memref<!tpu.dma_semaphore, #tpu.memory_space<semaphore_mem>>) attributes {dimension_semantics = [#tpu.dimension_semantics<core_parallel>, #tpu.dimension_semantics<subcore_parallel>], iteration_bounds = array<i64: 2, 16>, scalar_prefetch = 0 : i64, scratch_operands = 3 : i64, tpu.core_type = #tpu.core_type<sc_vector_subcore>, window_params = [{transform_indices = #map}, {transform_indices = #map1}, {transform_indices = #map}]} {
    %mul3A = arith.constant 2 : i32
    %mul3A_0 = arith.muli %arg1, %mul3A : i32
    %add3A = arith.addi %mul3A_0, %arg0 : i32
    %mul3A_1 = arith.constant 64 : i32
    %mul3A_2 = arith.muli %add3A, %mul3A_1 : i32
    "tpu.region"() ({
      %run_scoped3A = tpu.sem_alloc : memref<!tpu.dma_semaphore, #tpu.memory_space<semaphore_mem>>
      %dma_start3A_7 = tpu.memref_slice %arg3[%mul3A_2] : memref<2048xi32, #tpu.memory_space<hbm>> -> memref<64xi32, #tpu.memory_space<hbm>>
      %dma_start3A_8 = tpu.memref_slice %arg3[%mul3A_2] : memref<2048xi32, #tpu.memory_space<hbm>> -> memref<64xi32, #tpu.memory_space<hbm>>
      tpu.enqueue_dma source(%dma_start3A_8 : memref<64xi32, #tpu.memory_space<hbm>>) target(%arg5 : memref<64xi32, #tpu.memory_space<vmem>>) target_semaphore(%run_scoped3A : memref<!tpu.dma_semaphore, #tpu.memory_space<semaphore_mem>>)
      %dma_wait3A_9 = tpu.memref_slice %arg3[%mul3A_2] : memref<2048xi32, #tpu.memory_space<hbm>> -> memref<64xi32, #tpu.memory_space<hbm>>
      %dma_wait3A_10 = tpu.memref_slice %arg3[%mul3A_2] : memref<2048xi32, #tpu.memory_space<hbm>> -> memref<64xi32, #tpu.memory_space<hbm>>
      tpu.wait_dma2 semaphore(%run_scoped3A : memref<!tpu.dma_semaphore, #tpu.memory_space<semaphore_mem>>) src(%dma_wait3A_10 : memref<64xi32, #tpu.memory_space<hbm>>) dst(%arg5 : memref<64xi32, #tpu.memory_space<vmem>>)
      tpu.yield
    }) : () -> ()
    %dma_start3A = arith.constant 0 : i32
    %dma_start3A_3 = arith.constant 0 : i32
    %dma_start3A_4 = tpu.memref_slice %arg2[%dma_start3A, %dma_start3A_3] : memref<3072x768xf32, #tpu.memory_space<hbm>> -> memref<3072x768xf32, #tpu.memory_space<hbm>>
    tpu.enqueue_indirect_dma source(%dma_start3A_4 : memref<3072x768xf32, #tpu.memory_space<hbm>>) target(%arg6 : memref<64x768xf32, #tpu.memory_space<vmem>>) offsets(%arg5 : memref<64xi32, #tpu.memory_space<vmem>>) semaphore(%arg7 : memref<!tpu.dma_semaphore, #tpu.memory_space<semaphore_mem>>)
    %dma_wait3A = arith.constant 0 : i32
    %dma_wait3A_5 = arith.constant 0 : i32
    %dma_wait3A_6 = tpu.memref_slice %arg2[%dma_wait3A, %dma_wait3A_5] : memref<3072x768xf32, #tpu.memory_space<hbm>> -> memref<3072x768xf32, #tpu.memory_space<hbm>>
    tpu.wait_indirect_dma semaphore(%arg7 : memref<!tpu.dma_semaphore, #tpu.memory_space<semaphore_mem>>) src(%dma_wait3A_6 : memref<3072x768xf32, #tpu.memory_space<hbm>>) dst(%arg6 : memref<64x768xf32, #tpu.memory_space<vmem>>)
    "tpu.region"() ({
      %run_scoped3A = tpu.sem_alloc : memref<!tpu.dma_semaphore, #tpu.memory_space<semaphore_mem>>
      %dma_start3A_7 = arith.constant 0 : i32
      %dma_start3A_8 = tpu.memref_slice %arg4[%mul3A_2, %dma_start3A_7] : memref<2048x768xf32, #tpu.memory_space<hbm>> -> memref<64x768xf32, #tpu.memory_space<hbm>>
      %dma_start3A_9 = arith.constant 0 : i32
      %dma_start3A_10 = tpu.memref_slice %arg4[%mul3A_2, %dma_start3A_9] : memref<2048x768xf32, #tpu.memory_space<hbm>> -> memref<64x768xf32, #tpu.memory_space<hbm>>
      tpu.enqueue_dma source(%arg6 : memref<64x768xf32, #tpu.memory_space<vmem>>) target(%dma_start3A_10 : memref<64x768xf32, #tpu.memory_space<hbm>>) target_semaphore(%run_scoped3A : memref<!tpu.dma_semaphore, #tpu.memory_space<semaphore_mem>>)
      %dma_wait3A_11 = arith.constant 0 : i32
      %dma_wait3A_12 = tpu.memref_slice %arg4[%mul3A_2, %dma_wait3A_11] : memref<2048x768xf32, #tpu.memory_space<hbm>> -> memref<64x768xf32, #tpu.memory_space<hbm>>
      %dma_wait3A_13 = arith.constant 0 : i32
      %dma_wait3A_14 = tpu.memref_slice %arg4[%mul3A_2, %dma_wait3A_13] : memref<2048x768xf32, #tpu.memory_space<hbm>> -> memref<64x768xf32, #tpu.memory_space<hbm>>
      tpu.wait_dma2 semaphore(%run_scoped3A : memref<!tpu.dma_semaphore, #tpu.memory_space<semaphore_mem>>) src(%arg6 : memref<64x768xf32, #tpu.memory_space<vmem>>) dst(%dma_wait3A_14 : memref<64x768xf32, #tpu.memory_space<hbm>>)
      tpu.yield
    }) : () -> ()
    return
  }
}

module attributes {stable_mosaic.version = 14 : i64} {
  func.func @_route_body(%arg0: memref<2048x768xf32, #tpu.memory_space<vmem>>, %arg1: memref<8x768xf32, #tpu.memory_space<vmem>>, %arg2: memref<1x8xf32, #tpu.memory_space<vmem>>, %arg3: memref<2048x1xi32, #tpu.memory_space<vmem>>, %arg4: memref<2048x128xf32, #tpu.memory_space<vmem>>, %arg5: memref<1x8xi32, #tpu.memory_space<vmem>>, %arg6: memref<1x8xi32, #tpu.memory_space<vmem>>) attributes {dimension_semantics = [], scalar_prefetch = 0 : i64, scratch_operands = 0 : i64, tpu.core_type = #tpu.core_type<tc>} {
    %get3A = arith.constant 0 : index
    %get3A_0 = arith.constant 0 : index
    %get3A_1 = vector.load %arg0[%get3A, %get3A_0] : memref<2048x768xf32, #tpu.memory_space<vmem>>, vector<2048x768xf32>
    %get3A_2 = arith.constant 0 : index
    %get3A_3 = arith.constant 0 : index
    %get3A_4 = vector.load %arg1[%get3A_2, %get3A_3] : memref<8x768xf32, #tpu.memory_space<vmem>>, vector<8x768xf32>
    %dot_general3A = arith.constant dense<0.000000e+00> : vector<2048x8xf32>
    %dot_general3A_5 = tpu.matmul %get3A_1, %get3A_4, %dot_general3A {dimension_numbers = #tpu.dot_dimension_numbers<[1], [1], [0], [0], [0, 0, 1, 0], [], []>, transpose_lhs_hint = false} : vector<2048x768xf32>, vector<8x768xf32>, vector<2048x8xf32> -> vector<2048x8xf32>
    %get3A_6 = arith.constant 0 : index
    %get3A_7 = arith.constant 0 : index
    %get3A_8 = vector.load %arg2[%get3A_6, %get3A_7] : memref<1x8xf32, #tpu.memory_space<vmem>>, vector<1x8xf32>
    %add3A = vector.broadcast %get3A_8 : vector<1x8xf32> to vector<2048x8xf32>
    %add3A_9 = arith.addf %dot_general3A_5, %add3A : vector<2048x8xf32>
    %reduce_max3A = arith.constant dense<0xFF800000> : vector<2048xf32>
    %reduce_max3A_10 = vector.multi_reduction <maximumf>, %add3A_9, %reduce_max3A [1] : vector<2048x8xf32> to vector<2048xf32>
    %broadcast_in_dim3A = vector.shape_cast %reduce_max3A_10 : vector<2048xf32> to vector<2048x1xf32>
    %sub3A = vector.broadcast %broadcast_in_dim3A : vector<2048x1xf32> to vector<2048x8xf32>
    %sub3A_11 = arith.subf %add3A_9, %sub3A : vector<2048x8xf32>
    %exp3A = math.exp %sub3A_11 : vector<2048x8xf32>
    %reduce_sum3A = arith.constant dense<0.000000e+00> : vector<2048xf32>
    %reduce_sum3A_12 = vector.multi_reduction <add>, %exp3A, %reduce_sum3A [1] : vector<2048x8xf32> to vector<2048xf32>
    %broadcast_in_dim3A_13 = vector.shape_cast %reduce_sum3A_12 : vector<2048xf32> to vector<2048x1xf32>
    %div3A = vector.broadcast %broadcast_in_dim3A_13 : vector<2048x1xf32> to vector<2048x8xf32>
    %div3A_14 = arith.divf %exp3A, %div3A : vector<2048x8xf32>
    %reduce_max3A_15 = arith.constant dense<0xFF800000> : vector<2048xf32>
    %reduce_max3A_16 = vector.multi_reduction <maximumf>, %div3A_14, %reduce_max3A_15 [1] : vector<2048x8xf32> to vector<2048xf32>
    %broadcast_in_dim3A_17 = vector.shape_cast %reduce_max3A_16 : vector<2048xf32> to vector<2048x1xf32>
    %iota3A = tpu.iota {dimensions = array<i32: 1>} : vector<2048x8xi32>
    %convert_element_type3A = arith.sitofp %iota3A : vector<2048x8xi32> to vector<2048x8xf32>
    %eq3A = vector.broadcast %broadcast_in_dim3A_17 : vector<2048x1xf32> to vector<2048x8xf32>
    %eq3A_18 = arith.cmpf oeq, %div3A_14, %eq3A : vector<2048x8xf32>
    %jit3A = arith.constant 8.000000e+00 : f32
    %broadcast_in_dim3A_19 = vector.broadcast %jit3A : f32 to vector<2048x8xf32>
    %select_n3A = arith.select %eq3A_18, %convert_element_type3A, %broadcast_in_dim3A_19 : vector<2048x8xi1>, vector<2048x8xf32>
    %reduce_min3A = arith.constant dense<0x7F800000> : vector<2048xf32>
    %reduce_min3A_20 = vector.multi_reduction <minimumf>, %select_n3A, %reduce_min3A [1] : vector<2048x8xf32> to vector<2048xf32>
    %broadcast_in_dim3A_21 = vector.shape_cast %reduce_min3A_20 : vector<2048xf32> to vector<2048x1xf32>
    %eq3A_22 = vector.broadcast %broadcast_in_dim3A_21 : vector<2048x1xf32> to vector<2048x8xf32>
    %eq3A_23 = arith.cmpf oeq, %convert_element_type3A, %eq3A_22 : vector<2048x8xf32>
    %convert_element_type3A_24 = arith.extui %eq3A_23 : vector<2048x8xi1> to vector<2048x8xi32>
    %convert_element_type3A_25 = arith.sitofp %convert_element_type3A_24 : vector<2048x8xi32> to vector<2048x8xf32>
    %iota3A_26 = tpu.iota {dimensions = array<i32: 0>} : vector<2048x2048xi32>
    %iota3A_27 = tpu.iota {dimensions = array<i32: 1>} : vector<2048x2048xi32>
    %ge3A = arith.cmpi sge, %iota3A_26, %iota3A_27 : vector<2048x2048xi32>
    %convert_element_type3A_28 = arith.extui %ge3A : vector<2048x2048xi1> to vector<2048x2048xi32>
    %convert_element_type3A_29 = arith.sitofp %convert_element_type3A_28 : vector<2048x2048xi32> to vector<2048x2048xf32>
    %convert_element_type3A_30 = arith.truncf %convert_element_type3A_29 : vector<2048x2048xf32> to vector<2048x2048xbf16>
    %convert_element_type3A_31 = arith.truncf %convert_element_type3A_25 : vector<2048x8xf32> to vector<2048x8xbf16>
    %dot_general3A_32 = arith.constant dense<0.000000e+00> : vector<2048x8xf32>
    %dot_general3A_33 = tpu.matmul %convert_element_type3A_30, %convert_element_type3A_31, %dot_general3A_32 {dimension_numbers = #tpu.dot_dimension_numbers<[1], [0], [0], [1], [0, 0, 1, 1], [], []>, transpose_lhs_hint = false} : vector<2048x2048xbf16>, vector<2048x8xbf16>, vector<2048x8xf32> -> vector<2048x8xf32>
    %slice3A = vector.extract_strided_slice %dot_general3A_33 {offsets = [2047, 0], sizes = [1, 8], strides = [1, 1]} : vector<2048x8xf32> to vector<1x8xf32>
    %add3A_34 = arith.constant 1.270000e+02 : f32
    %add3A_35 = vector.broadcast %add3A_34 : f32 to vector<1x8xf32>
    %add3A_36 = arith.addf %slice3A, %add3A_35 : vector<1x8xf32>
    %mul3A = arith.constant 7.812500e-03 : f32
    %mul3A_37 = vector.broadcast %mul3A : f32 to vector<1x8xf32>
    %mul3A_38 = arith.mulf %add3A_36, %mul3A_37 : vector<1x8xf32>
    %floor3A = math.floor %mul3A_38 : vector<1x8xf32>
    %iota3A_39 = tpu.iota {dimensions = array<i32: 0>} : vector<8x8xi32>
    %iota3A_40 = tpu.iota {dimensions = array<i32: 1>} : vector<8x8xi32>
    %lt3A = arith.cmpi slt, %iota3A_39, %iota3A_40 : vector<8x8xi32>
    %convert_element_type3A_41 = arith.extui %lt3A : vector<8x8xi1> to vector<8x8xi32>
    %convert_element_type3A_42 = arith.sitofp %convert_element_type3A_41 : vector<8x8xi32> to vector<8x8xf32>
    %dot_general3A_43 = arith.constant dense<0.000000e+00> : vector<1x8xf32>
    %dot_general3A_44 = tpu.matmul %floor3A, %convert_element_type3A_42, %dot_general3A_43 {dimension_numbers = #tpu.dot_dimension_numbers<[1], [0], [0], [1], [0, 0, 1, 1], [], []>, transpose_lhs_hint = false} : vector<1x8xf32>, vector<8x8xf32>, vector<1x8xf32> -> vector<1x8xf32>
    %mul3A_45 = arith.constant 1.280000e+02 : f32
    %mul3A_46 = vector.broadcast %mul3A_45 : f32 to vector<1x8xf32>
    %mul3A_47 = arith.mulf %dot_general3A_44, %mul3A_46 : vector<1x8xf32>
    %mul3A_48 = arith.mulf %convert_element_type3A_25, %dot_general3A_33 : vector<2048x8xf32>
    %reduce_sum3A_49 = arith.constant dense<0.000000e+00> : vector<2048xf32>
    %reduce_sum3A_50 = vector.multi_reduction <add>, %mul3A_48, %reduce_sum3A_49 [1] : vector<2048x8xf32> to vector<2048xf32>
    %broadcast_in_dim3A_51 = vector.shape_cast %reduce_sum3A_50 : vector<2048xf32> to vector<2048x1xf32>
    %sub3A_52 = arith.constant 1.000000e+00 : f32
    %sub3A_53 = vector.broadcast %sub3A_52 : f32 to vector<2048x1xf32>
    %sub3A_54 = arith.subf %broadcast_in_dim3A_51, %sub3A_53 : vector<2048x1xf32>
    %mul3A_55 = vector.broadcast %mul3A_47 : vector<1x8xf32> to vector<2048x8xf32>
    %mul3A_56 = arith.mulf %convert_element_type3A_25, %mul3A_55 : vector<2048x8xf32>
    %reduce_sum3A_57 = arith.constant dense<0.000000e+00> : vector<2048xf32>
    %reduce_sum3A_58 = vector.multi_reduction <add>, %mul3A_56, %reduce_sum3A_57 [1] : vector<2048x8xf32> to vector<2048xf32>
    %broadcast_in_dim3A_59 = vector.shape_cast %reduce_sum3A_58 : vector<2048xf32> to vector<2048x1xf32>
    %add3A_60 = arith.addf %broadcast_in_dim3A_59, %sub3A_54 : vector<2048x1xf32>
    %convert_element_type3A_61 = arith.fptosi %add3A_60 : vector<2048x1xf32> to vector<2048x1xi32>
    %swap3A = arith.constant 0 : index
    %swap3A_62 = arith.constant 0 : index
    %swap3A_63 = vector.load %arg3[%swap3A, %swap3A_62] : memref<2048x1xi32, #tpu.memory_space<vmem>>, vector<2048x1xi32>
    tpu.vector_store %arg3[%swap3A, %swap3A_62], %convert_element_type3A_61 {strides = array<i32>} : memref<2048x1xi32, #tpu.memory_space<vmem>>, vector<2048x1xi32>,
    %broadcast_in_dim3A_64 = vector.shape_cast %broadcast_in_dim3A_17 : vector<2048x1xf32> to vector<2048x1xf32>
    %broadcast_in_dim3A_65 = vector.broadcast %broadcast_in_dim3A_64 : vector<2048x1xf32> to vector<2048x128xf32>
    %swap3A_66 = arith.constant 0 : index
    %swap3A_67 = arith.constant 0 : index
    %swap3A_68 = vector.load %arg4[%swap3A_66, %swap3A_67] : memref<2048x128xf32, #tpu.memory_space<vmem>>, vector<2048x128xf32>
    tpu.vector_store %arg4[%swap3A_66, %swap3A_67], %broadcast_in_dim3A_65 {strides = array<i32>} : memref<2048x128xf32, #tpu.memory_space<vmem>>, vector<2048x128xf32>,
    %convert_element_type3A_69 = arith.fptosi %floor3A : vector<1x8xf32> to vector<1x8xi32>
    %swap3A_70 = arith.constant 0 : index
    %swap3A_71 = arith.constant 0 : index
    %swap3A_72 = vector.load %arg5[%swap3A_70, %swap3A_71] : memref<1x8xi32, #tpu.memory_space<vmem>>, vector<1x8xi32>
    tpu.vector_store %arg5[%swap3A_70, %swap3A_71], %convert_element_type3A_69 {strides = array<i32>} : memref<1x8xi32, #tpu.memory_space<vmem>>, vector<1x8xi32>,
    %convert_element_type3A_73 = arith.fptosi %dot_general3A_44 : vector<1x8xf32> to vector<1x8xi32>
    %swap3A_74 = arith.constant 0 : index
    %swap3A_75 = arith.constant 0 : index
    %swap3A_76 = vector.load %arg6[%swap3A_74, %swap3A_75] : memref<1x8xi32, #tpu.memory_space<vmem>>, vector<1x8xi32>
    tpu.vector_store %arg6[%swap3A_74, %swap3A_75], %convert_element_type3A_73 {strides = array<i32>} : memref<1x8xi32, #tpu.memory_space<vmem>>, vector<1x8xi32>,
    return
  }
}

module attributes {stable_mosaic.version = 14 : i64} {
  func.func @_moe_body(%arg0: memref<1x8xi32, #tpu.memory_space<smem>>, %arg1: memref<1x8xi32, #tpu.memory_space<smem>>, %arg2: memref<3072x768xf32, #tpu.memory_space<vmem>>, %arg3: memref<3072x128xf32, #tpu.memory_space<vmem>>, %arg4: memref<48x1280xf32, #tpu.memory_space<vmem>>, %arg5: memref<8x768xf32, #tpu.memory_space<vmem>>, %arg6: memref<8x768x7680xf32, #tpu.memory_space<hbm>>, %arg7: memref<8x7680x768xf32, #tpu.memory_space<hbm>>, %arg8: memref<3072x768xf32, #tpu.memory_space<vmem>>, %arg9: memref<3x768x1280xf32, #tpu.memory_space<vmem>>, %arg10: memref<3x1280x768xf32, #tpu.memory_space<vmem>>, %arg11: memref<3x!tpu.dma_semaphore, #tpu.memory_space<semaphore_mem>>, %arg12: memref<3x!tpu.dma_semaphore, #tpu.memory_space<semaphore_mem>>) attributes {dimension_semantics = [], scalar_prefetch = 0 : i64, scratch_operands = 4 : i64, tpu.core_type = #tpu.core_type<tc>} {
    %dma_start3A = arith.constant 0 : i32
    %dma_start3A_0 = arith.constant 0 : i32
    %dma_start3A_1 = arith.constant 0 : i32
    %dma_start3A_2 = tpu.memref_slice %arg11[%dma_start3A_1] : memref<3x!tpu.dma_semaphore, #tpu.memory_space<semaphore_mem>> -> memref<1x!tpu.dma_semaphore, #tpu.memory_space<semaphore_mem>>
    %dma_start3A_3 = tpu.memref_squeeze %dma_start3A_2 : memref<1x!tpu.dma_semaphore, #tpu.memory_space<semaphore_mem>> -> memref<!tpu.dma_semaphore, #tpu.memory_space<semaphore_mem>>
    %dma_start3A_4 = arith.constant 0 : i32
    %dma_start3A_5 = arith.constant 0 : i32
    %dma_start3A_6 = tpu.memref_slice %arg9[%dma_start3A_0, %dma_start3A_4, %dma_start3A_5] : memref<3x768x1280xf32, #tpu.memory_space<vmem>> -> memref<1x768x1280xf32, #tpu.memory_space<vmem>>
    %dma_start3A_7 = tpu.memref_squeeze %dma_start3A_6 : memref<1x768x1280xf32, #tpu.memory_space<vmem>> -> memref<768x1280xf32, #tpu.memory_space<vmem>>
    %dma_start3A_8 = arith.constant 0 : i32
    %dma_start3A_9 = arith.constant 0 : i32
    %dma_start3A_10 = tpu.memref_slice %arg6[%dma_start3A, %dma_start3A_8, %dma_start3A_9] : memref<8x768x7680xf32, #tpu.memory_space<hbm>> -> memref<1x768x1280xf32, #tpu.memory_space<hbm>>
    %dma_start3A_11 = tpu.memref_squeeze %dma_start3A_10 : memref<1x768x1280xf32, #tpu.memory_space<hbm>> -> memref<768x1280xf32, #tpu.memory_space<hbm>>
    tpu.enqueue_dma source(%dma_start3A_11 : memref<768x1280xf32, #tpu.memory_space<hbm>>) target(%dma_start3A_7 : memref<768x1280xf32, #tpu.memory_space<vmem>>) target_semaphore(%dma_start3A_3 : memref<!tpu.dma_semaphore, #tpu.memory_space<semaphore_mem>>)
    %dma_start3A_12 = arith.constant 0 : i32
    %dma_start3A_13 = arith.constant 0 : i32
    %dma_start3A_14 = arith.constant 0 : i32
    %dma_start3A_15 = tpu.memref_slice %arg12[%dma_start3A_14] : memref<3x!tpu.dma_semaphore, #tpu.memory_space<semaphore_mem>> -> memref<1x!tpu.dma_semaphore, #tpu.memory_space<semaphore_mem>>
    %dma_start3A_16 = tpu.memref_squeeze %dma_start3A_15 : memref<1x!tpu.dma_semaphore, #tpu.memory_space<semaphore_mem>> -> memref<!tpu.dma_semaphore, #tpu.memory_space<semaphore_mem>>
    %dma_start3A_17 = arith.constant 0 : i32
    %dma_start3A_18 = arith.constant 0 : i32
    %dma_start3A_19 = tpu.memref_slice %arg10[%dma_start3A_13, %dma_start3A_17, %dma_start3A_18] : memref<3x1280x768xf32, #tpu.memory_space<vmem>> -> memref<1x1280x768xf32, #tpu.memory_space<vmem>>
    %dma_start3A_20 = tpu.memref_squeeze %dma_start3A_19 : memref<1x1280x768xf32, #tpu.memory_space<vmem>> -> memref<1280x768xf32, #tpu.memory_space<vmem>>
    %dma_start3A_21 = arith.constant 0 : i32
    %dma_start3A_22 = arith.constant 0 : i32
    %dma_start3A_23 = tpu.memref_slice %arg7[%dma_start3A_12, %dma_start3A_21, %dma_start3A_22] : memref<8x7680x768xf32, #tpu.memory_space<hbm>> -> memref<1x1280x768xf32, #tpu.memory_space<hbm>>
    %dma_start3A_24 = tpu.memref_squeeze %dma_start3A_23 : memref<1x1280x768xf32, #tpu.memory_space<hbm>> -> memref<1280x768xf32, #tpu.memory_space<hbm>>
    tpu.enqueue_dma source(%dma_start3A_24 : memref<1280x768xf32, #tpu.memory_space<hbm>>) target(%dma_start3A_20 : memref<1280x768xf32, #tpu.memory_space<vmem>>) target_semaphore(%dma_start3A_16 : memref<!tpu.dma_semaphore, #tpu.memory_space<semaphore_mem>>)
    %dma_start3A_25 = arith.constant 1 : i32
    %dma_start3A_26 = arith.constant 1 : i32
    %dma_start3A_27 = arith.constant 1 : i32
    %dma_start3A_28 = tpu.memref_slice %arg11[%dma_start3A_27] : memref<3x!tpu.dma_semaphore, #tpu.memory_space<semaphore_mem>> -> memref<1x!tpu.dma_semaphore, #tpu.memory_space<semaphore_mem>>
    %dma_start3A_29 = tpu.memref_squeeze %dma_start3A_28 : memref<1x!tpu.dma_semaphore, #tpu.memory_space<semaphore_mem>> -> memref<!tpu.dma_semaphore, #tpu.memory_space<semaphore_mem>>
    %dma_start3A_30 = arith.constant 0 : i32
    %dma_start3A_31 = arith.constant 0 : i32
    %dma_start3A_32 = tpu.memref_slice %arg9[%dma_start3A_26, %dma_start3A_30, %dma_start3A_31] : memref<3x768x1280xf32, #tpu.memory_space<vmem>> -> memref<1x768x1280xf32, #tpu.memory_space<vmem>>
    %dma_start3A_33 = tpu.memref_squeeze %dma_start3A_32 : memref<1x768x1280xf32, #tpu.memory_space<vmem>> -> memref<768x1280xf32, #tpu.memory_space<vmem>>
    %dma_start3A_34 = arith.constant 0 : i32
    %dma_start3A_35 = arith.constant 0 : i32
    %dma_start3A_36 = tpu.memref_slice %arg6[%dma_start3A_25, %dma_start3A_34, %dma_start3A_35] : memref<8x768x7680xf32, #tpu.memory_space<hbm>> -> memref<1x768x1280xf32, #tpu.memory_space<hbm>>
    %dma_start3A_37 = tpu.memref_squeeze %dma_start3A_36 : memref<1x768x1280xf32, #tpu.memory_space<hbm>> -> memref<768x1280xf32, #tpu.memory_space<hbm>>
    tpu.enqueue_dma source(%dma_start3A_37 : memref<768x1280xf32, #tpu.memory_space<hbm>>) target(%dma_start3A_33 : memref<768x1280xf32, #tpu.memory_space<vmem>>) target_semaphore(%dma_start3A_29 : memref<!tpu.dma_semaphore, #tpu.memory_space<semaphore_mem>>)
    %dma_start3A_38 = arith.constant 1 : i32
    %dma_start3A_39 = arith.constant 1 : i32
    %dma_start3A_40 = arith.constant 1 : i32
    %dma_start3A_41 = tpu.memref_slice %arg12[%dma_start3A_40] : memref<3x!tpu.dma_semaphore, #tpu.memory_space<semaphore_mem>> -> memref<1x!tpu.dma_semaphore, #tpu.memory_space<semaphore_mem>>
    %dma_start3A_42 = tpu.memref_squeeze %dma_start3A_41 : memref<1x!tpu.dma_semaphore, #tpu.memory_space<semaphore_mem>> -> memref<!tpu.dma_semaphore, #tpu.memory_space<semaphore_mem>>
    %dma_start3A_43 = arith.constant 0 : i32
    %dma_start3A_44 = arith.constant 0 : i32
    %dma_start3A_45 = tpu.memref_slice %arg10[%dma_start3A_39, %dma_start3A_43, %dma_start3A_44] : memref<3x1280x768xf32, #tpu.memory_space<vmem>> -> memref<1x1280x768xf32, #tpu.memory_space<vmem>>
    %dma_start3A_46 = tpu.memref_squeeze %dma_start3A_45 : memref<1x1280x768xf32, #tpu.memory_space<vmem>> -> memref<1280x768xf32, #tpu.memory_space<vmem>>
    %dma_start3A_47 = arith.constant 0 : i32
    %dma_start3A_48 = arith.constant 0 : i32
    %dma_start3A_49 = tpu.memref_slice %arg7[%dma_start3A_38, %dma_start3A_47, %dma_start3A_48] : memref<8x7680x768xf32, #tpu.memory_space<hbm>> -> memref<1x1280x768xf32, #tpu.memory_space<hbm>>
    %dma_start3A_50 = tpu.memref_squeeze %dma_start3A_49 : memref<1x1280x768xf32, #tpu.memory_space<hbm>> -> memref<1280x768xf32, #tpu.memory_space<hbm>>
    tpu.enqueue_dma source(%dma_start3A_50 : memref<1280x768xf32, #tpu.memory_space<hbm>>) target(%dma_start3A_46 : memref<1280x768xf32, #tpu.memory_space<vmem>>) target_semaphore(%dma_start3A_42 : memref<!tpu.dma_semaphore, #tpu.memory_space<semaphore_mem>>)
    %scan3A = arith.constant 0 : i32
    %scan3A_51 = arith.constant 48 : i32
    %scan3A_52 = arith.addi %scan3A, %scan3A_51 : i32
    %scan3A_53 = arith.constant 1 : i32
    scf.for %scan3A_55 = %scan3A to %scan3A_52 step %scan3A_53  : i32 {
      %add3A = arith.constant 3 : i32
      %add3A_56 = arith.addi %scan3A_55, %add3A : i32
      %sub3A = arith.constant 1 : i32
      %sub3A_57 = arith.subi %add3A_56, %sub3A : i32
      %rem3A = arith.constant 3 : i32
      %rem3A_58 = arith.remsi %sub3A_57, %rem3A : i32
      %lt3A = arith.constant 48 : i32
      %lt3A_59 = arith.cmpi slt, %sub3A_57, %lt3A : i32
      %convert_element_type3A = arith.extui %lt3A_59 : i1 to i32
      %cond3A = arith.constant 0 : i32
      %cond3A_60 = arith.cmpi ne, %convert_element_type3A, %cond3A : i32
      scf.if %cond3A_60 {
        %jit3A_174 = arith.constant 8 : i32
        %div3A_175 = arith.divsi %sub3A_57, %jit3A_174 : i32
        %sign3A_176 = arith.constant 0 : i32
        %sign3A_177 = arith.cmpi sgt, %sub3A_57, %sign3A_176 : i32
        %sign3A_178 = arith.extui %sign3A_177 : i1 to i32
        %sign3A_179 = arith.constant 0 : i32
        %sign3A_180 = arith.cmpi slt, %sub3A_57, %sign3A_179 : i32
        %sign3A_181 = arith.extui %sign3A_180 : i1 to i32
        %sign3A_182 = arith.subi %sign3A_178, %sign3A_181 : i32
        %sign3A_183 = arith.constant 0 : i32
        %sign3A_184 = arith.cmpi sgt, %jit3A_174, %sign3A_183 : i32
        %sign3A_185 = arith.extui %sign3A_184 : i1 to i32
        %sign3A_186 = arith.constant 0 : i32
        %sign3A_187 = arith.cmpi slt, %jit3A_174, %sign3A_186 : i32
        %sign3A_188 = arith.extui %sign3A_187 : i1 to i32
        %sign3A_189 = arith.subi %sign3A_185, %sign3A_188 : i32
        %ne3A_190 = arith.cmpi ne, %sign3A_182, %sign3A_189 : i32
        %rem3A_191 = arith.remsi %sub3A_57, %jit3A_174 : i32
        %ne3A_192 = arith.constant 0 : i32
        %ne3A_193 = arith.cmpi ne, %rem3A_191, %ne3A_192 : i32
        %and3A_194 = arith.andi %ne3A_190, %ne3A_193 : i1
        %sub3A_195 = arith.constant 1 : i32
        %sub3A_196 = arith.subi %div3A_175, %sub3A_195 : i32
        %select_n3A_197 = arith.select %and3A_194, %sub3A_196, %div3A_175 : i32
        %jit3A_198 = arith.constant 8 : i32
        %eq3A_199 = arith.constant 0 : i32
        %eq3A_200 = arith.cmpi eq, %jit3A_198, %eq3A_199 : i32
        %jit3A_201 = arith.constant 1 : i32
        %select_n3A_202 = arith.select %eq3A_200, %jit3A_201, %jit3A_198 : i32
        %rem3A_203 = arith.remsi %sub3A_57, %select_n3A_202 : i32
        %ne3A_204 = arith.constant 0 : i32
        %ne3A_205 = arith.cmpi ne, %rem3A_203, %ne3A_204 : i32
        %lt3A_206 = arith.constant 0 : i32
        %lt3A_207 = arith.cmpi slt, %rem3A_203, %lt3A_206 : i32
        %lt3A_208 = arith.constant 0 : i32
        %lt3A_209 = arith.cmpi slt, %select_n3A_202, %lt3A_208 : i32
        %ne3A_210 = arith.xori %lt3A_207, %lt3A_209 : i1
        %and3A_211 = arith.andi %ne3A_210, %ne3A_205 : i1
        %add3A_212 = arith.addi %rem3A_203, %select_n3A_202 : i32
        %select_n3A_213 = arith.select %and3A_211, %add3A_212, %rem3A_203 : i32
        %mul3A_214 = arith.constant 1280 : i32
        %mul3A_215 = arith.muli %select_n3A_197, %mul3A_214 : i32
        %multiple_of3A_216 = tpu.assume_multiple %mul3A_215, 128 : i32
        %dma_start3A_217 = tpu.memref_slice %arg11[%rem3A_58] : memref<3x!tpu.dma_semaphore, #tpu.memory_space<semaphore_mem>> -> memref<1x!tpu.dma_semaphore, #tpu.memory_space<semaphore_mem>>
        %dma_start3A_218 = tpu.memref_squeeze %dma_start3A_217 : memref<1x!tpu.dma_semaphore, #tpu.memory_space<semaphore_mem>> -> memref<!tpu.dma_semaphore, #tpu.memory_space<semaphore_mem>>
        %dma_start3A_219 = arith.constant 0 : i32
        %dma_start3A_220 = arith.constant 0 : i32
        %dma_start3A_221 = tpu.memref_slice %arg9[%rem3A_58, %dma_start3A_219, %dma_start3A_220] : memref<3x768x1280xf32, #tpu.memory_space<vmem>> -> memref<1x768x1280xf32, #tpu.memory_space<vmem>>
        %dma_start3A_222 = tpu.memref_squeeze %dma_start3A_221 : memref<1x768x1280xf32, #tpu.memory_space<vmem>> -> memref<768x1280xf32, #tpu.memory_space<vmem>>
        %dma_start3A_223 = arith.constant 0 : i32
        %dma_start3A_224 = tpu.memref_slice %arg6[%select_n3A_213, %dma_start3A_223, %multiple_of3A_216] : memref<8x768x7680xf32, #tpu.memory_space<hbm>> -> memref<1x768x1280xf32, #tpu.memory_space<hbm>>
        %dma_start3A_225 = tpu.memref_squeeze %dma_start3A_224 : memref<1x768x1280xf32, #tpu.memory_space<hbm>> -> memref<768x1280xf32, #tpu.memory_space<hbm>>
        tpu.enqueue_dma source(%dma_start3A_225 : memref<768x1280xf32, #tpu.memory_space<hbm>>) target(%dma_start3A_222 : memref<768x1280xf32, #tpu.memory_space<vmem>>) target_semaphore(%dma_start3A_218 : memref<!tpu.dma_semaphore, #tpu.memory_space<semaphore_mem>>)
        %dma_start3A_226 = tpu.memref_slice %arg12[%rem3A_58] : memref<3x!tpu.dma_semaphore, #tpu.memory_space<semaphore_mem>> -> memref<1x!tpu.dma_semaphore, #tpu.memory_space<semaphore_mem>>
        %dma_start3A_227 = tpu.memref_squeeze %dma_start3A_226 : memref<1x!tpu.dma_semaphore, #tpu.memory_space<semaphore_mem>> -> memref<!tpu.dma_semaphore, #tpu.memory_space<semaphore_mem>>
        %dma_start3A_228 = arith.constant 0 : i32
        %dma_start3A_229 = arith.constant 0 : i32
        %dma_start3A_230 = tpu.memref_slice %arg10[%rem3A_58, %dma_start3A_228, %dma_start3A_229] : memref<3x1280x768xf32, #tpu.memory_space<vmem>> -> memref<1x1280x768xf32, #tpu.memory_space<vmem>>
        %dma_start3A_231 = tpu.memref_squeeze %dma_start3A_230 : memref<1x1280x768xf32, #tpu.memory_space<vmem>> -> memref<1280x768xf32, #tpu.memory_space<vmem>>
        %dma_start3A_232 = arith.constant 0 : i32
        %dma_start3A_233 = tpu.memref_slice %arg7[%select_n3A_213, %multiple_of3A_216, %dma_start3A_232] : memref<8x7680x768xf32, #tpu.memory_space<hbm>> -> memref<1x1280x768xf32, #tpu.memory_space<hbm>>
        %dma_start3A_234 = tpu.memref_squeeze %dma_start3A_233 : memref<1x1280x768xf32, #tpu.memory_space<hbm>> -> memref<1280x768xf32, #tpu.memory_space<hbm>>
        tpu.enqueue_dma source(%dma_start3A_234 : memref<1280x768xf32, #tpu.memory_space<hbm>>) target(%dma_start3A_231 : memref<1280x768xf32, #tpu.memory_space<vmem>>) target_semaphore(%dma_start3A_227 : memref<!tpu.dma_semaphore, #tpu.memory_space<semaphore_mem>>)
      } else {
      }
      %rem3A_61 = arith.constant 3 : i32
      %rem3A_62 = arith.remsi %scan3A_55, %rem3A_61 : i32
      %jit3A = arith.constant 8 : i32
      %div3A = arith.divsi %scan3A_55, %jit3A : i32
      %sign3A = arith.constant 0 : i32
      %sign3A_63 = arith.cmpi sgt, %scan3A_55, %sign3A : i32
      %sign3A_64 = arith.extui %sign3A_63 : i1 to i32
      %sign3A_65 = arith.constant 0 : i32
      %sign3A_66 = arith.cmpi slt, %scan3A_55, %sign3A_65 : i32
      %sign3A_67 = arith.extui %sign3A_66 : i1 to i32
      %sign3A_68 = arith.subi %sign3A_64, %sign3A_67 : i32
      %sign3A_69 = arith.constant 0 : i32
      %sign3A_70 = arith.cmpi sgt, %jit3A, %sign3A_69 : i32
      %sign3A_71 = arith.extui %sign3A_70 : i1 to i32
      %sign3A_72 = arith.constant 0 : i32
      %sign3A_73 = arith.cmpi slt, %jit3A, %sign3A_72 : i32
      %sign3A_74 = arith.extui %sign3A_73 : i1 to i32
      %sign3A_75 = arith.subi %sign3A_71, %sign3A_74 : i32
      %ne3A = arith.cmpi ne, %sign3A_68, %sign3A_75 : i32
      %rem3A_76 = arith.remsi %scan3A_55, %jit3A : i32
      %ne3A_77 = arith.constant 0 : i32
      %ne3A_78 = arith.cmpi ne, %rem3A_76, %ne3A_77 : i32
      %and3A = arith.andi %ne3A, %ne3A_78 : i1
      %sub3A_79 = arith.constant 1 : i32
      %sub3A_80 = arith.subi %div3A, %sub3A_79 : i32
      %select_n3A = arith.select %and3A, %sub3A_80, %div3A : i32
      %jit3A_81 = arith.constant 8 : i32
      %eq3A = arith.constant 0 : i32
      %eq3A_82 = arith.cmpi eq, %jit3A_81, %eq3A : i32
      %jit3A_83 = arith.constant 1 : i32
      %select_n3A_84 = arith.select %eq3A_82, %jit3A_83, %jit3A_81 : i32
      %rem3A_85 = arith.remsi %scan3A_55, %select_n3A_84 : i32
      %ne3A_86 = arith.constant 0 : i32
      %ne3A_87 = arith.cmpi ne, %rem3A_85, %ne3A_86 : i32
      %lt3A_88 = arith.constant 0 : i32
      %lt3A_89 = arith.cmpi slt, %rem3A_85, %lt3A_88 : i32
      %lt3A_90 = arith.constant 0 : i32
      %lt3A_91 = arith.cmpi slt, %select_n3A_84, %lt3A_90 : i32
      %ne3A_92 = arith.xori %lt3A_89, %lt3A_91 : i1
      %and3A_93 = arith.andi %ne3A_92, %ne3A_87 : i1
      %add3A_94 = arith.addi %rem3A_85, %select_n3A_84 : i32
      %select_n3A_95 = arith.select %and3A_93, %add3A_94, %rem3A_85 : i32
      %mul3A = arith.constant 1280 : i32
      %mul3A_96 = arith.muli %select_n3A, %mul3A : i32
      %multiple_of3A = tpu.assume_multiple %mul3A_96, 128 : i32
      %dma_wait3A = tpu.memref_slice %arg11[%rem3A_62] : memref<3x!tpu.dma_semaphore, #tpu.memory_space<semaphore_mem>> -> memref<1x!tpu.dma_semaphore, #tpu.memory_space<semaphore_mem>>
      %dma_wait3A_97 = tpu.memref_squeeze %dma_wait3A : memref<1x!tpu.dma_semaphore, #tpu.memory_space<semaphore_mem>> -> memref<!tpu.dma_semaphore, #tpu.memory_space<semaphore_mem>>
      %dma_wait3A_98 = arith.constant 0 : i32
      %dma_wait3A_99 = arith.constant 0 : i32
      %dma_wait3A_100 = tpu.memref_slice %arg9[%rem3A_62, %dma_wait3A_98, %dma_wait3A_99] : memref<3x768x1280xf32, #tpu.memory_space<vmem>> -> memref<1x768x1280xf32, #tpu.memory_space<vmem>>
      %dma_wait3A_101 = tpu.memref_squeeze %dma_wait3A_100 : memref<1x768x1280xf32, #tpu.memory_space<vmem>> -> memref<768x1280xf32, #tpu.memory_space<vmem>>
      %dma_wait3A_102 = arith.constant 0 : i32
      %dma_wait3A_103 = tpu.memref_slice %arg6[%select_n3A_95, %dma_wait3A_102, %multiple_of3A] : memref<8x768x7680xf32, #tpu.memory_space<hbm>> -> memref<1x768x1280xf32, #tpu.memory_space<hbm>>
      %dma_wait3A_104 = tpu.memref_squeeze %dma_wait3A_103 : memref<1x768x1280xf32, #tpu.memory_space<hbm>> -> memref<768x1280xf32, #tpu.memory_space<hbm>>
      tpu.wait_dma2 semaphore(%dma_wait3A_97 : memref<!tpu.dma_semaphore, #tpu.memory_space<semaphore_mem>>) src(%dma_wait3A_104 : memref<768x1280xf32, #tpu.memory_space<hbm>>) dst(%dma_wait3A_101 : memref<768x1280xf32, #tpu.memory_space<vmem>>)
      %dma_wait3A_105 = tpu.memref_slice %arg12[%rem3A_62] : memref<3x!tpu.dma_semaphore, #tpu.memory_space<semaphore_mem>> -> memref<1x!tpu.dma_semaphore, #tpu.memory_space<semaphore_mem>>
      %dma_wait3A_106 = tpu.memref_squeeze %dma_wait3A_105 : memref<1x!tpu.dma_semaphore, #tpu.memory_space<semaphore_mem>> -> memref<!tpu.dma_semaphore, #tpu.memory_space<semaphore_mem>>
      %dma_wait3A_107 = arith.constant 0 : i32
      %dma_wait3A_108 = arith.constant 0 : i32
      %dma_wait3A_109 = tpu.memref_slice %arg10[%rem3A_62, %dma_wait3A_107, %dma_wait3A_108] : memref<3x1280x768xf32, #tpu.memory_space<vmem>> -> memref<1x1280x768xf32, #tpu.memory_space<vmem>>
      %dma_wait3A_110 = tpu.memref_squeeze %dma_wait3A_109 : memref<1x1280x768xf32, #tpu.memory_space<vmem>> -> memref<1280x768xf32, #tpu.memory_space<vmem>>
      %dma_wait3A_111 = arith.constant 0 : i32
      %dma_wait3A_112 = tpu.memref_slice %arg7[%select_n3A_95, %multiple_of3A, %dma_wait3A_111] : memref<8x7680x768xf32, #tpu.memory_space<hbm>> -> memref<1x1280x768xf32, #tpu.memory_space<hbm>>
      %dma_wait3A_113 = tpu.memref_squeeze %dma_wait3A_112 : memref<1x1280x768xf32, #tpu.memory_space<hbm>> -> memref<1280x768xf32, #tpu.memory_space<hbm>>
      tpu.wait_dma2 semaphore(%dma_wait3A_106 : memref<!tpu.dma_semaphore, #tpu.memory_space<semaphore_mem>>) src(%dma_wait3A_113 : memref<1280x768xf32, #tpu.memory_space<hbm>>) dst(%dma_wait3A_110 : memref<1280x768xf32, #tpu.memory_space<vmem>>)
      %jit3A_114 = arith.constant 8 : i32
      %div3A_115 = arith.divsi %scan3A_55, %jit3A_114 : i32
      %sign3A_116 = arith.constant 0 : i32
      %sign3A_117 = arith.cmpi sgt, %scan3A_55, %sign3A_116 : i32
      %sign3A_118 = arith.extui %sign3A_117 : i1 to i32
      %sign3A_119 = arith.constant 0 : i32
      %sign3A_120 = arith.cmpi slt, %scan3A_55, %sign3A_119 : i32
      %sign3A_121 = arith.extui %sign3A_120 : i1 to i32
      %sign3A_122 = arith.subi %sign3A_118, %sign3A_121 : i32
      %sign3A_123 = arith.constant 0 : i32
      %sign3A_124 = arith.cmpi sgt, %jit3A_114, %sign3A_123 : i32
      %sign3A_125 = arith.extui %sign3A_124 : i1 to i32
      %sign3A_126 = arith.constant 0 : i32
      %sign3A_127 = arith.cmpi slt, %jit3A_114, %sign3A_126 : i32
      %sign3A_128 = arith.extui %sign3A_127 : i1 to i32
      %sign3A_129 = arith.subi %sign3A_125, %sign3A_128 : i32
      %ne3A_130 = arith.cmpi ne, %sign3A_122, %sign3A_129 : i32
      %rem3A_131 = arith.remsi %scan3A_55, %jit3A_114 : i32
      %ne3A_132 = arith.constant 0 : i32
      %ne3A_133 = arith.cmpi ne, %rem3A_131, %ne3A_132 : i32
      %and3A_134 = arith.andi %ne3A_130, %ne3A_133 : i1
      %sub3A_135 = arith.constant 1 : i32
      %sub3A_136 = arith.subi %div3A_115, %sub3A_135 : i32
      %select_n3A_137 = arith.select %and3A_134, %sub3A_136, %div3A_115 : i32
      %rem3A_138 = arith.constant 8 : i32
      %rem3A_139 = arith.remsi %scan3A_55, %rem3A_138 : i32
      %get3A = arith.constant 0 : index
      %get3A_140 = arith.index_cast %rem3A_139 : i32 to index
      %get3A_141 = memref.load %arg0[%get3A, %get3A_140] : memref<1x8xi32, #tpu.memory_space<smem>>
      %get3A_142 = arith.constant 0 : index
      %get3A_143 = arith.index_cast %rem3A_139 : i32 to index
      %get3A_144 = memref.load %arg1[%get3A_142, %get3A_143] : memref<1x8xi32, #tpu.memory_space<smem>>
      %mul3A_145 = arith.constant 128 : i32
      %mul3A_146 = arith.muli %get3A_144, %mul3A_145 : i32
      %get3A_147 = arith.index_cast %rem3A_62 : i32 to index
      %get3A_148 = arith.constant 0 : index
      %get3A_149 = arith.constant 0 : index
      %get3A_150 = vector.load %arg9[%get3A_147, %get3A_148, %get3A_149] : memref<3x768x1280xf32, #tpu.memory_space<vmem>>, vector<1x768x1280xf32>
      %reshape3A = vector.shape_cast %get3A_150 : vector<1x768x1280xf32> to vector<768x1280xf32>
      %get3A_151 = arith.index_cast %rem3A_62 : i32 to index
      %get3A_152 = arith.constant 0 : index
      %get3A_153 = arith.constant 0 : index
      %get3A_154 = vector.load %arg10[%get3A_151, %get3A_152, %get3A_153] : memref<3x1280x768xf32, #tpu.memory_space<vmem>>, vector<1x1280x768xf32>
      %reshape3A_155 = vector.shape_cast %get3A_154 : vector<1x1280x768xf32> to vector<1280x768xf32>
      %mul3A_156 = arith.constant 6 : i32
      %mul3A_157 = arith.muli %rem3A_139, %mul3A_156 : i32
      %add3A_158 = arith.addi %mul3A_157, %select_n3A_137 : i32
      %get3A_159 = arith.index_cast %add3A_158 : i32 to index
      %get3A_160 = arith.constant 0 : index
      %get3A_161 = vector.load %arg4[%get3A_159, %get3A_160] : memref<48x1280xf32, #tpu.memory_space<vmem>>, vector<1x1280xf32>
      %get3A_162 = arith.index_cast %rem3A_139 : i32 to index
      %get3A_163 = arith.constant 0 : index
      %get3A_164 = vector.load %arg5[%get3A_162, %get3A_163] : memref<8x768xf32, #tpu.memory_space<vmem>>, vector<1x768xf32>
      %while3A = arith.constant 0 : i32
      %while3A_165 = arith.constant 0 : i32
      %while3A_166 = arith.subi %get3A_141, %while3A_165 : i32
      %while3A_167 = arith.addi %while3A_165, %while3A_166 : i32
      %while3A_168 = arith.constant 1 : i32
      %while3A_169 = arith.divsi %while3A_166, %while3A_168 : i32
      %while3A_170 = arith.muli %while3A_169, %while3A_168 : i32
      %while3A_171 = arith.addi %while3A_165, %while3A_170 : i32
      %while3A_172 = arith.constant 1 : i32
      scf.for %while3A_174 = %while3A_165 to %while3A_171 step %while3A_172  : i32 {
        %mul3A_175 = arith.constant 128 : i32
        %mul3A_176 = arith.muli %while3A_174, %mul3A_175 : i32
        %add3A_177 = arith.addi %mul3A_146, %mul3A_176 : i32
        %multiple_of3A_178 = tpu.assume_multiple %add3A_177, 128 : i32
        %get3A_179 = arith.index_cast %multiple_of3A_178 : i32 to index
        %get3A_180 = arith.constant 0 : index
        %get3A_181 = vector.load %arg2[%get3A_179, %get3A_180] : memref<3072x768xf32, #tpu.memory_space<vmem>>, vector<128x768xf32>
        %dot_general3A = arith.constant dense<0.000000e+00> : vector<128x1280xf32>
        %dot_general3A_182 = tpu.matmul %get3A_181, %reshape3A, %dot_general3A {dimension_numbers = #tpu.dot_dimension_numbers<[1], [0], [0], [1], [0, 0, 1, 1], [], []>, transpose_lhs_hint = false} : vector<128x768xf32>, vector<768x1280xf32>, vector<128x1280xf32> -> vector<128x1280xf32>
        %add3A_183 = vector.broadcast %get3A_161 : vector<1x1280xf32> to vector<128x1280xf32>
        %add3A_184 = arith.addf %dot_general3A_182, %add3A_183 : vector<128x1280xf32>
        %max3A = arith.constant 0.000000e+00 : f32
        %max3A_185 = vector.broadcast %max3A : f32 to vector<128x1280xf32>
        %max3A_186 = arith.maximumf %add3A_184, %max3A_185 : vector<128x1280xf32>
        %dot_general3A_187 = arith.constant dense<0.000000e+00> : vector<128x768xf32>
        %dot_general3A_188 = tpu.matmul %max3A_186, %reshape3A_155, %dot_general3A_187 {dimension_numbers = #tpu.dot_dimension_numbers<[1], [0], [0], [1], [0, 0, 1, 1], [], []>, transpose_lhs_hint = false} : vector<128x1280xf32>, vector<1280x768xf32>, vector<128x768xf32> -> vector<128x768xf32>
        %get3A_189 = arith.index_cast %multiple_of3A_178 : i32 to index
        %get3A_190 = arith.constant 0 : index
        %get3A_191 = vector.load %arg3[%get3A_189, %get3A_190] : memref<3072x128xf32, #tpu.memory_space<vmem>>, vector<128x1xf32>
        %mul3A_192 = vector.broadcast %get3A_191 : vector<128x1xf32> to vector<128x768xf32>
        %mul3A_193 = arith.mulf %dot_general3A_188, %mul3A_192 : vector<128x768xf32>
        %eq3A_194 = arith.constant 0 : i32
        %eq3A_195 = arith.cmpi eq, %select_n3A_137, %eq3A_194 : i32
        %convert_element_type3A_196 = arith.extui %eq3A_195 : i1 to i32
        %cond3A_197 = arith.constant 0 : i32
        %cond3A_198 = arith.cmpi ne, %convert_element_type3A_196, %cond3A_197 : i32
        scf.if %cond3A_198 {
          %mul3A_204 = vector.broadcast %get3A_191 : vector<128x1xf32> to vector<128x768xf32>
          %mul3A_205 = vector.broadcast %get3A_164 : vector<1x768xf32> to vector<128x768xf32>
          %mul3A_206 = arith.mulf %mul3A_204, %mul3A_205 : vector<128x768xf32>
          %add3A_207 = arith.addf %mul3A_193, %mul3A_206 : vector<128x768xf32>
          %swap3A = arith.index_cast %multiple_of3A_178 : i32 to index
          %swap3A_208 = arith.constant 0 : index
          %swap3A_209 = vector.load %arg8[%swap3A, %swap3A_208] : memref<3072x768xf32, #tpu.memory_space<vmem>>, vector<128x768xf32>
          tpu.vector_store %arg8[%swap3A, %swap3A_208], %add3A_207 {strides = array<i32>} : memref<3072x768xf32, #tpu.memory_space<vmem>>, vector<128x768xf32>,
        } else {
        }
        %ne3A_199 = arith.constant 0 : i32
        %ne3A_200 = arith.cmpi ne, %select_n3A_137, %ne3A_199 : i32
        %convert_element_type3A_201 = arith.extui %ne3A_200 : i1 to i32
        %cond3A_202 = arith.constant 0 : i32
        %cond3A_203 = arith.cmpi ne, %convert_element_type3A_201, %cond3A_202 : i32
        scf.if %cond3A_203 {
          %get3A_204 = arith.index_cast %multiple_of3A_178 : i32 to index
          %get3A_205 = arith.constant 0 : index
          %get3A_206 = vector.load %arg8[%get3A_204, %get3A_205] : memref<3072x768xf32, #tpu.memory_space<vmem>>, vector<128x768xf32>
          %add3A_207 = arith.addf %get3A_206, %mul3A_193 : vector<128x768xf32>
          %swap3A = arith.index_cast %multiple_of3A_178 : i32 to index
          %swap3A_208 = arith.constant 0 : index
          %swap3A_209 = vector.load %arg8[%swap3A, %swap3A_208] : memref<3072x768xf32, #tpu.memory_space<vmem>>, vector<128x768xf32>
          tpu.vector_store %arg8[%swap3A, %swap3A_208], %add3A_207 {strides = array<i32>} : memref<3072x768xf32, #tpu.memory_space<vmem>>, vector<128x768xf32>,
        } else {
        }
      }
      %while3A_173 = arith.constant 1 : i32
      scf.for %while3A_174 = %while3A_171 to %while3A_167 step %while3A_173  : i32 {
        %mul3A_175 = arith.constant 128 : i32
        %mul3A_176 = arith.muli %while3A_174, %mul3A_175 : i32
        %add3A_177 = arith.addi %mul3A_146, %mul3A_176 : i32
        %multiple_of3A_178 = tpu.assume_multiple %add3A_177, 128 : i32
        %get3A_179 = arith.index_cast %multiple_of3A_178 : i32 to index
        %get3A_180 = arith.constant 0 : index
        %get3A_181 = vector.load %arg2[%get3A_179, %get3A_180] : memref<3072x768xf32, #tpu.memory_space<vmem>>, vector<128x768xf32>
        %dot_general3A = arith.constant dense<0.000000e+00> : vector<128x1280xf32>
        %dot_general3A_182 = tpu.matmul %get3A_181, %reshape3A, %dot_general3A {dimension_numbers = #tpu.dot_dimension_numbers<[1], [0], [0], [1], [0, 0, 1, 1], [], []>, transpose_lhs_hint = false} : vector<128x768xf32>, vector<768x1280xf32>, vector<128x1280xf32> -> vector<128x1280xf32>
        %add3A_183 = vector.broadcast %get3A_161 : vector<1x1280xf32> to vector<128x1280xf32>
        %add3A_184 = arith.addf %dot_general3A_182, %add3A_183 : vector<128x1280xf32>
        %max3A = arith.constant 0.000000e+00 : f32
        %max3A_185 = vector.broadcast %max3A : f32 to vector<128x1280xf32>
        %max3A_186 = arith.maximumf %add3A_184, %max3A_185 : vector<128x1280xf32>
        %dot_general3A_187 = arith.constant dense<0.000000e+00> : vector<128x768xf32>
        %dot_general3A_188 = tpu.matmul %max3A_186, %reshape3A_155, %dot_general3A_187 {dimension_numbers = #tpu.dot_dimension_numbers<[1], [0], [0], [1], [0, 0, 1, 1], [], []>, transpose_lhs_hint = false} : vector<128x1280xf32>, vector<1280x768xf32>, vector<128x768xf32> -> vector<128x768xf32>
        %get3A_189 = arith.index_cast %multiple_of3A_178 : i32 to index
        %get3A_190 = arith.constant 0 : index
        %get3A_191 = vector.load %arg3[%get3A_189, %get3A_190] : memref<3072x128xf32, #tpu.memory_space<vmem>>, vector<128x1xf32>
        %mul3A_192 = vector.broadcast %get3A_191 : vector<128x1xf32> to vector<128x768xf32>
        %mul3A_193 = arith.mulf %dot_general3A_188, %mul3A_192 : vector<128x768xf32>
        %eq3A_194 = arith.constant 0 : i32
        %eq3A_195 = arith.cmpi eq, %select_n3A_137, %eq3A_194 : i32
        %convert_element_type3A_196 = arith.extui %eq3A_195 : i1 to i32
        %cond3A_197 = arith.constant 0 : i32
        %cond3A_198 = arith.cmpi ne, %convert_element_type3A_196, %cond3A_197 : i32
        scf.if %cond3A_198 {
          %mul3A_204 = vector.broadcast %get3A_191 : vector<128x1xf32> to vector<128x768xf32>
          %mul3A_205 = vector.broadcast %get3A_164 : vector<1x768xf32> to vector<128x768xf32>
          %mul3A_206 = arith.mulf %mul3A_204, %mul3A_205 : vector<128x768xf32>
          %add3A_207 = arith.addf %mul3A_193, %mul3A_206 : vector<128x768xf32>
          %swap3A = arith.index_cast %multiple_of3A_178 : i32 to index
          %swap3A_208 = arith.constant 0 : index
          %swap3A_209 = vector.load %arg8[%swap3A, %swap3A_208] : memref<3072x768xf32, #tpu.memory_space<vmem>>, vector<128x768xf32>
          tpu.vector_store %arg8[%swap3A, %swap3A_208], %add3A_207 {strides = array<i32>} : memref<3072x768xf32, #tpu.memory_space<vmem>>, vector<128x768xf32>,
        } else {
        }
        %ne3A_199 = arith.constant 0 : i32
        %ne3A_200 = arith.cmpi ne, %select_n3A_137, %ne3A_199 : i32
        %convert_element_type3A_201 = arith.extui %ne3A_200 : i1 to i32
        %cond3A_202 = arith.constant 0 : i32
        %cond3A_203 = arith.cmpi ne, %convert_element_type3A_201, %cond3A_202 : i32
        scf.if %cond3A_203 {
          %get3A_204 = arith.index_cast %multiple_of3A_178 : i32 to index
          %get3A_205 = arith.constant 0 : index
          %get3A_206 = vector.load %arg8[%get3A_204, %get3A_205] : memref<3072x768xf32, #tpu.memory_space<vmem>>, vector<128x768xf32>
          %add3A_207 = arith.addf %get3A_206, %mul3A_193 : vector<128x768xf32>
          %swap3A = arith.index_cast %multiple_of3A_178 : i32 to index
          %swap3A_208 = arith.constant 0 : index
          %swap3A_209 = vector.load %arg8[%swap3A, %swap3A_208] : memref<3072x768xf32, #tpu.memory_space<vmem>>, vector<128x768xf32>
          tpu.vector_store %arg8[%swap3A, %swap3A_208], %add3A_207 {strides = array<i32>} : memref<3072x768xf32, #tpu.memory_space<vmem>>, vector<128x768xf32>,
        } else {
        }
      }
    }
    %scan3A_54 = arith.constant 48 : i32
    return
  }
}

</mosaic_0001>

<sc_bundles>
// kernel: kernel.6.cloned.1.call-start
scs
__scs_entry_jumppad:
0x0: {  	(pc) =	sbr.rel $0x88, $3  }
0x1: {  	(tag) =	ssettag $0x0;
	lr =	simm.s32 $0x1  }
0x2: {  	[smem:$0x3F9A] =	sst lr;
	_ =	strace $0xD0000000  }
0x3: {  	_ = 	snop  }
0x4: {  	_ = 	snop  }
0x5: {  	_ = 	snop  }
0x6: {  	_ = 	snop  }
0x7: {  	_ = 	snop  }
__scs_overlays_trampoline_lowered:
0x8: {  	[smem:$0x3FA9] =	sst s0  }
0x9: {  	[smem:$0x3FAA] =	sst s1  }
0xa: {  	[smem:$0x3FAB] =	sst s2  }
0xb: {  	[smem:$0x3FAC] =	sst s3  }
0xc: {  	[smem:$0x3FAD] =	sst s4  }
0xd: {  	[smem:$0x3FAE] =	sst s5  }
0xe: {  	[smem:$0x3FAF] =	sst s6  }
0xf: {  	[smem:$0x3FB0] =	sst s7  }
0x10: {  	[smem:$0x3FB1] =	sst s8  }
0x11: {  	[smem:$0x3FB2] =	sst s9;
	s0 =	simm.s32 @!p0 $0x0  }
0x12: {  	s1 =	sld [smem:$0x3F98];
	s0 =	simm.s32 @p0 $0x1  }
0x13: {  	[smem:$0x3FB3] =	sst s0;
	s0 =	simm.s32 @!p1 $0x0  }
0x14: {  	s2 =	sld [smem:$0x3F97];
	s0 =	simm.s32 @p1 $0x1  }
0x15: {  	[smem:$0x3FB4] =	sst s0;
	s0 =	simm.s32 @!p2 $0x0  }
0x16: {  	s3 =	sld [smem:$0x3FDB];
	s0 =	simm.s32 @p2 $0x1  }
0x17: {  	s4 =	simm.s32 $0x1BF5;
	[smem:$0x3FB6] =	sst s0  }
0x18: {  	s0 =	sld [smem:$0x3F99];
	_ =	swait.ge [sflag:s4], $0x0  }
0x19: {  	s7 =	sld [smem:$0x3F9A]  }
0x1a: {  	s8 =	sadd.s32 $0xFFFFE003, lr  }
0x1b: {  	s9 =	sadd.s32 $0xFFFFFEF7, lr;
	s5 =	simm.s32 $0xFFFFFFFF;
	p2 =	slt.u32 s8, $0xFFFFF086  }
0x1c: {  	p1 =	slt.u32 s9, $0xF7A;
	s5 =	simm.s32 @!p2 $0x0  }
0x1d: {  	s5 =	simm.s32 @p1 $0x1;
	p0 =	seq.s32 s7, s2  }
0x1e: {  	s7 =	smul.u32 @!p0 $0xF7A, s2;
	p2 =	seq.s32 @!p0 s5, $0x0  }
0x1f: {  	s9 =	smul.u32 $0xF7A, s1;
	s8 =	simm.s32 @!p0 $0x1BF5;
	p2 =	por !p2, p0  }
0x20: {  	[sflag:s8] =	ssyncset.s32 @!p0 $0xFFFFF086;
	s6 =	sadd.s32 @!p0 s3, s7;
	s7 =	simm.s32 @!p0 $0x108  }
0x21: {  	s3 =	sadd.s32 s3, s9;
	s6 =	sadd.s32 @!p0 $0x88, s6;
	s7 =	simm.s32 @p2 $0x1082  }
0x22: {  	[simem:s7], [sflag:s8] =	dma.local @!p0 [hbm:s6], $0xF7A  }
0x23: {  	s9 =	sor.u32 $0xD0000000, s2;
	s6 =	simm.s32 $0x108;
	_ =	swait.ge @!p0 [sflag:s8], $0x0  }
0x24: {  	s3 =	sadd.s32 $0x88, s3;
	s6 =	simm.s32 @!p1 $0x1082;
	[sflag:s4] =	ssyncset.s32 $0xFFFFF086  }
0x25: {  	[simem:s6], [sflag:s4] =	dma.local [hbm:s3], $0xF7A  }
0x26: {  	[smem:$0x3F9A] =	sst s1;
	(tag) =	ssettag s2;
	_ =	strace s9  }
0x27: {  	s1 =	sld [smem:$0x3FAA]  }
0x28: {  	s2 =	sld [smem:$0x3FAB]  }
0x29: {  	s4 =	sld [smem:$0x3FAD]  }
0x2a: {  	p0 =	seq.s32 s5, $0x0;
	s5 =	sld [smem:$0x3FAE]  }
0x2b: {  	s6 =	sld [smem:$0x3FAF]  }
0x2c: {  	s7 =	sld [smem:$0x3FB0]  }
0x2d: {  	s3 =	simm.s32 $0x108;
	s8 =	sld [smem:$0x3FB1]  }
0x2e: {  	s3 =	simm.s32 @!p0 $0x1082;
	s9 =	sld [smem:$0x3FB2]  }
0x2f: {  	lr =	sadd.s32 s0, s3;
	s0 =	sld [smem:$0x3FA9]  }
0x30: {  	s3 =	sld [smem:$0x3FAC]  }
0x31: {  	[smem:$0x3FB5] =	sst s10  }
0x32: {  	s10 =	sld [smem:$0x3FB3];
	_ =	sdelay $0x3  }
0x33: {  	p0 =	seq.s32 s10, $0x1;
	s10 =	sld [smem:$0x3FB5];
	_ =	sdelay $0x3  }
0x34: {  	[smem:$0x3FB5] =	sst s10  }
0x35: {  	s10 =	sld [smem:$0x3FB4];
	_ =	sdelay $0x3  }
0x36: {  	p1 =	seq.s32 s10, $0x1;
	s10 =	sld [smem:$0x3FB5];
	_ =	sdelay $0x3  }
0x37: {  	[smem:$0x3FB5] =	sst s10  }
0x38: {  	s10 =	sld [smem:$0x3FB6]  }
0x39: {  	_ = 	snop;
	(pc) =	sbr.ind lr, $3  }
0x3a: {  	_ = 	snop  }
0x3b: {  	_ = 	snop  }
0x3c: {  	p2 =	seq.s32 s10, $0x1;
	s10 =	sld [smem:$0x3FB5]  }
0x3d: {  	_ =	shalt  }
0x3e: {  	_ =	shalt  }
0x3f: {  	_ =	shalt  }
0x40: {  	_ =	shalt  }
0x41: {  	_ =	shalt  }
0x42: {  	_ =	shalt  }
0x43: {  	_ =	shalt  }
0x44: {  	_ =	shalt  }
0x45: {  	_ =	shalt  }
0x46: {  	_ =	shalt  }
0x47: {  	_ =	shalt  }
0x48: {  	_ =	shalt  }
0x49: {  	_ =	shalt  }
0x4a: {  	_ =	shalt  }
0x4b: {  	_ =	shalt  }
0x4c: {  	_ =	shalt  }
0x4d: {  	_ =	shalt  }
0x4e: {  	_ =	shalt  }
0x4f: {  	_ =	shalt  }
0x50: {  	_ =	shalt  }
0x51: {  	_ =	shalt  }
0x52: {  	_ =	shalt  }
0x53: {  	_ =	shalt  }
0x54: {  	_ =	shalt  }
0x55: {  	_ =	shalt  }
0x56: {  	_ =	shalt  }
0x57: {  	_ =	shalt  }
0x58: {  	_ =	shalt  }
0x59: {  	_ =	shalt  }
0x5a: {  	_ =	shalt  }
0x5b: {  	_ =	shalt  }
0x5c: {  	_ =	shalt  }
0x5d: {  	_ =	shalt  }
0x5e: {  	_ =	shalt  }
0x5f: {  	_ =	shalt  }
0x60: {  	_ =	shalt  }
0x61: {  	_ =	shalt  }
0x62: {  	_ =	shalt  }
0x63: {  	_ =	shalt  }
0x64: {  	_ =	shalt  }
0x65: {  	_ =	shalt  }
0x66: {  	_ =	shalt  }
0x67: {  	_ =	shalt  }
0x68: {  	_ =	shalt  }
0x69: {  	_ =	shalt  }
0x6a: {  	_ =	shalt  }
0x6b: {  	_ =	shalt  }
0x6c: {  	_ =	shalt  }
0x6d: {  	_ =	shalt  }
0x6e: {  	_ =	shalt  }
0x6f: {  	_ =	shalt  }
0x70: {  	_ =	shalt  }
0x71: {  	_ =	shalt  }
0x72: {  	_ =	shalt  }
0x73: {  	_ =	shalt  }
0x74: {  	_ =	shalt  }
0x75: {  	_ =	shalt  }
0x76: {  	_ =	shalt  }
0x77: {  	_ =	shalt  }
0x78: {  	_ =	shalt  }
0x79: {  	_ =	shalt  }
0x7a: {  	_ =	shalt  }
0x7b: {  	_ =	shalt  }
0x7c: {  	_ =	shalt  }
0x7d: {  	_ =	shalt  }
0x7e: {  	_ =	shalt  }
0x7f: {  	_ =	shalt  }
0x80: {  	_ =	shalt  }
0x81: {  	_ =	shalt  }
0x82: {  	_ =	shalt  }
0x83: {  	_ =	shalt  }
0x84: {  	_ =	shalt  }
0x85: {  	_ =	shalt  }
0x86: {  	_ =	shalt  }
0x87: {  	_ =	shalt  }
.Lfunc_end0:
.L_simem_size_0:
called_computation_lowered:
.L_overlay_start_0:
0x88: {  	s2 =	sld [smem:$0x3FD9]  }
0x89: {  	s3 =	sld [smem:$0x3FFE];
	_ =	sdelay $0x1  }
0x8a: {  	s1 =	srdreg.scid  }
0x8b: {  	s0 =	sand.u32 $0x1, s1  }
0x8c: {  	s17 =	sshll.u32 s0, $0xA;
	s2 =	sadd.s32 s3, s2  }
0x8d: {  	s2 =	sadd.s32 s2, s17  }
0x8e: {  	[smem:$0x3FC1] =	sst s2  }
0x8f: {  	_ = 	snop  }
0x90: {  	s2 =	sld [smem:$0x3FC9]  }
0x91: {  	s18 =	sld [smem:$0x3FD0];
	(tm) =	ssettm $0x1  }
0x92: {  	s4 =	sld [smem:$0x3FFB];
	_ =	sdelay $0x3  }
0x93: {  	_ =	strace s4  }
0x94: {  	s4 =	sld [smem:$0x3FFC];
	_ =	sdelay $0x3  }
0x95: {  	_ =	strace s4  }
0x96: {  	s4 =	sld [smem:$0x3FFD];
	_ =	sdelay $0x3  }
0x97: {  	_ =	strace s4  }
0x98: {  	_ =	strace $0x8FFFFFFF  }
0x99: {  	s19 =	sld [smem:$0x3FDB];
	_ =	sdelay $0x1  }
0x9a: {  	s5 =	simm.s32 $_scs_section_size  }
0x9b: {  	s6 =	simm.s32 $_size__tile_overlayer_lowered;
	s7 =	simm.s32 $_tile_overlayer_lowered  }
0x9c: {  	s22 =	simm.s32 $0x1BFF;
	s21 =	sshll.u32 s7, $0x1;
	s4 =	sadd.s32 s5, s19  }
0x9d: {  	s8 =	simm.s32 $0x0;
	s20 =	sshll.u32 s6, $0x1;
	s6 =	sadd.s32 s21, s4  }
0x9e: {  	[timem:s8], [sflag:s22] =	dma.local [hbm:s6], s20  }
0x9f: {  	_ =	swait.ge [sflag:s22], s20  }
0xa0: {  	s5 =	ssub.s32 $0x0, s20;
	[sflag:s22] =	ssyncset.done $0x0  }
0xa1: {  	[sflag:s22] =	ssyncadd.s32 s5;
	_ =	sdelay $0x1  }
0xa2: {  	s23 =	simm.s32 $0x1B8B  }
0xa3: {  	_ =	swait.ge [sflag:s23], $0x1  }
0xa4: {  	[sflag:s23] =	ssyncset.done $0x0  }
0xa5: {  	s25 =	simm.s32 $0x1B8E;
	s24 =	sld [smem:$0x3FFE];
	[sflag:s23] =	ssyncadd.s32 $0xFFFFFFFF  }
0xa6: {  	s26 =	simm.s32 $execute0_lowered;
	[smem:$0x3FD2] =	sst s25  }
0xa7: {  	s6 =	sshll.u32 s26, $0x1;
	_ =	strace $0x80000046;
	[dreg:$0x1] =	wrdreg $0xFFFFFFFF  }
0xa8: {  	s28 =	simm.s32 $_size_execute0_lowered;
	s4 =	sadd.s32 s4, s6;
	[dreg:$0x0] =	wrdreg $0x0  }
0xa9: {  	s6 =	sshll.u32 s28, $0x1;
	[dreg:$0x2] =	wrdreg s4  }
0xaa: {  	[dreg:$0x3] =	wrdreg s6  }
0xab: {  	[dreg:$0x4] =	wrdreg $0xC0  }
0xac: {  	_ =	task [dreg:s8], $0x5FFFF  }
0xad: {  	[dreg:$0x1] =	wrdreg $0xFFFFFFFF  }
0xae: {  	[dreg:$0x0] =	wrdreg $0x60  }
0xaf: {  	[dreg:$0x2] =	wrdreg s2  }
0xb0: {  	[dreg:$0x3] =	wrdreg s24  }
0xb1: {  	[dreg:$0x4] =	wrdreg s18  }
0xb2: {  	[dreg:$0x5] =	wrdreg $0x9  }
0xb3: {  	_ =	task.clear_ibuf [dreg:s8], $0x6FFFF;
	_ =	strace $0x90000046  }
0xb4: {  	s29 =	simm.s32 $0x9;
	_ =	strace $0x80000048  }
0xb5: {  	_ =	swait.ge [sflag:s29], $0x1  }
0xb6: {  	[sflag:s29] =	ssyncadd.s32 $0xFFFFFFFF  }
0xb7: {  	_ =	strace $0x90000048  }
0xb8: {  	_ =	sfence  }
0xb9: {  	s30 =	sld [smem:$0x0];
	_ =	sdelay $0x2  }
0xba: {  	s31 =	sshll.u32 s1, $0xD;
	s1 =	sshrl.u32 s1, $0x2  }
0xbb: {  	s3 =	sand.u32 $0x4000, s31;
	s1 =	sadd.s32 s1, s30  }
0xbc: {  	s0 =	sor.u32 s3, s0;
	s1 =	sshll.u32 s1, $0x11  }
0xbd: {  	s0 =	sor.u32 s1, s0  }
0xbe: {  	s0 =	sadd.s32 $0x8F2B, s0  }
0xbf: {  	[sflag:s0] =	ssyncadd.remote.s32 $0x1  }
0xc0: {  	_ =	sfence.sel $0xFFFF  }
0xc1: {  	[dreg:$0x0] =	wrdreg $0xFFFFFFFF;
	(pc) =	sbr.abs _section_cstart, $3  }
0xc2: {  	[dreg:$0x1] =	wrdreg $0xFFFFFFFF  }
0xc3: {  	_ =	task.clear_ibuf [dreg:s8], $0x2FFFF;
	_ =	strace $0x9FFFFFFF  }
0xc4: {  	(tm) =	ssettm $0x7FFFFFFF  }
0xc5: {  	_ =	shalt  }
tec
execute0_lowered:
.L_overlay_start_1:
0x0: {  	(tag) =	ssettag $0x1  }
0x1: {  	s0 =	rddreg [dreg:$0x0]  }
0x2: {  	s5 =	rddreg [dreg:$0x1]  }
0x3: {  	s1 =	rddreg [dreg:$0x2];
	s2 =	srdreg.scid  }
0x4: {  	s21 =	stileid.u32;
	s24 =	simm.s32 $0x880;
	s25 =	simm.s32 $0x1080  }
0x5: {  	s26 =	simm.s32 $0x1880;
	s9 =	simm.s32 $0xC080;
	s11 =	simm.s32 $0x2880  }
0x6: {  	s12 =	simm.s32 $0x3080;
	s13 =	simm.s32 $0x3880;
	s14 =	simm.s32 $0x4080  }
0x7: {  	s15 =	simm.s32 $0x4880;
	s16 =	simm.s32 $0x5080;
	s17 =	simm.s32 $0x5880  }
0x8: {  	s18 =	simm.s32 $0x6080;
	s19 =	simm.s32 $0x6880;
	s20 =	simm.s32 $0x7080  }
0x9: {  	s28 =	simm.s32 $0xA880;
	s29 =	simm.s32 $0xB080;
	s30 =	simm.s32 $0xB880  }
0xa: {  	[dreg:$0x4] =	wrdreg s1;
	s4 =	sand.u32 $0x1, s2;
	s2 =	simm.s32 $0x0  }
0xb: {  	s31 =	simm.s32 $0x1;
	s3 =	sshll.u32 s21, $0x7;
	[smem:$0x7FF] =	sst s2  }
0xc: {  	s21 =	simm.s32 $0x7880;
	_ =	strace $0x80000047;
	[dreg:$0x8] =	wrdreg s24  }
0xd: {  	s6 =	sshll.u32 s4, $0x6;
	s4 =	ssub.s32 $0x2, s4;
	[dreg:$0x9] =	wrdreg s25  }
0xe: {  	s3 =	sor.u32 s6, s3;
	s22 =	sshrl.u32 s4, $0x1;
	[dreg:$0xa] =	wrdreg s26  }
0xf: {  	s24 =	simm.s32 $0x9080;
	s25 =	simm.s32 $0x9880;
	s6 =	sshrl.u32 s3, $0x3  }
0x10: {  	s26 =	simm.s32 $0xA080;
	s3 =	sshll.u32 s3, $0x4;
	s7 =	sadd.s32 s6, s5  }
0x11: {  	s6 =	smul.u32 $0x300, s6;
	s8 =	sadd.s32 s3, s5;
	s3 =	sadd.s32 $0x9E00, s5  }
0x12: {  	s7 =	sadd.s32 $0x9C00, s7;
	s23 =	sadd.s32 $0x1C00, s8;
	s8 =	simm.s32 $0x80  }
0x13: {  	[dreg:$0x5] =	wrdreg s7;
	s0 =	sadd.s32 s0, s6;
	s6 =	ssub.s32 s4, s22  }
0x14: {  	v2 =	vlaneseq.u32;
	[dreg:$0x7] =	wrdreg s23;
	s4 =	sadd.s32 $0x9F00, s5;
	s5 =	sadd.s32 $0xA000, s5  }
0x15: {  	vm0 =	vmmov $0xffff;
	v1 =	vshrl.u32 v2, $0x3;
	s7 =	simm.s32 $0x2;
	s22 =	simm.s32 $0x8080;
	s23 =	simm.s32 $0x8880  }
0x16: {  	v0 =	vand.u32 $0x7, v2;
	v2 =	vor.u32 $0x8, v2;
	v1 =	vmul.u32 $0x8, v1;
	[dreg:$0x6] =	wrdreg s0;
	s6 =	smax.u32 s6, $0x1;
	s0 =	simm.s32 $0x40  }
.LBB2_1:
0x17: {  	s1 =	rddreg [dreg:$0x5]  }
0x18: {  	[tilespmem:s2], [sflag:$0x2] =	stream.linear.gather [hbm4b:s1+s2], $0x40, $0x38;
	[tilespmem:$0xE080] =	vst v63  }
0x19: {  	_ =	swait.ge [sflag:s7], $0x40  }
0x1a: {  	[sflag:s7] =	ssyncset.done $0x0  }
0x1b: {  	s10 =	rddreg [dreg:$0x6];
	[sflag:s7] =	ssyncadd.s32 $0xFFFFFFC0  }
0x1c: {  	[tilespmem:s8], [sflag:$0x2] =	stream.linear.gather [hbm4b:s10+s2], $0xC000, $0x38;
	[tilespmem:$0xE080] =	vst v63  }
0x1d: {  	_ =	swait.ge [sflag:s7], $0xC000  }
0x1e: {  	[sflag:s7] =	ssyncset.done $0x0  }
0x1f: {  	s10 =	rddreg [dreg:$0x7];
	[sflag:s7] =	ssyncadd.s32 $0xFFFF4000  }
0x20: {  	[tilespmem:s9], [sflag:$0x2] =	stream.linear.gather [hbm4b:s10+s2], $0x2000, $0x38;
	[tilespmem:$0xE080] =	vst v63  }
0x21: {  	_ =	swait.ge [sflag:s7], $0x2000  }
0x22: {  	[sflag:s7] =	ssyncset.done $0x0  }
0x23: {  	[sflag:s7] =	ssyncadd.s32 $0xFFFFE000  }
0x24: {  	v3 =	vld [tilespmem:$0x0];
	_ =	sdelay $0x4  }
0x25: {  	v4 =	vshrl.u32 v3, $0x3  }
0x26: {  	v4 =	vmul.u32 $0x30, v4  }
0x27: {  	v3 =	vand.u32 $0x7, v3  }
0x28: {  	v3 =	vor.u32 v3, v4  }
0x29: {  	v4 =	vperm.xlane v3, v0;
	_ =	sdelay $0x1  }
0x2a: {  	v4 =	vadd.s32 v1, v4;
	_ =	sdelay $0x3  }
0x2b: {  	v3 =	vperm.xlane v3, v2  }
0x2c: {  	[hbm4b:s3+s2] =	stream.indirect_vreg.scatter [tilespmem:s8], [sflag:$0x1], $0x80, v4, vm0, $0xb8;
	[tilespmem:$0xE080] =	vst v63  }
0x2d: {  	s1 =	rddreg [dreg:$0x8];
	v3 =	vadd.s32 v1, v3  }
0x2e: {  	[hbm4b:s4+s2] =	stream.indirect_vreg.scatter [tilespmem:s1], [sflag:$0x1], $0x80, v4, vm0, $0xb8;
	[tilespmem:$0xE080] =	vst v63  }
0x2f: {  	s10 =	rddreg [dreg:$0x9]  }
0x30: {  	[hbm4b:s5+s2] =	stream.indirect_vreg.scatter [tilespmem:s10], [sflag:$0x1], $0x80, v4, vm0, $0xb8;
	[tilespmem:$0xE080] =	vst v63  }
0x31: {  	s1 =	rddreg [dreg:$0xa]  }
0x32: {  	[hbm4b:s3+s2] =	stream.indirect_vreg.scatter [tilespmem:s1], [sflag:$0x1], $0x80, v3, vm0, $0xb8;
	[tilespmem:$0xE080] =	vst v63  }
0x33: {  	s10 =	simm.s32 $0x2080  }
0x34: {  	[hbm4b:s4+s2] =	stream.indirect_vreg.scatter [tilespmem:s10], [sflag:$0x1], $0x80, v3, vm0, $0xb8;
	[tilespmem:$0xE080] =	vst v63  }
0x35: {  	_ = 	snop  }
0x36: {  	[hbm4b:s5+s2] =	stream.indirect_vreg.scatter [tilespmem:s11], [sflag:$0x1], $0x80, v3, vm0, $0xb8;
	[tilespmem:$0xE080] =	vst v63  }
0x37: {  	v3 =	vld [tilespmem:$0x10];
	_ =	sdelay $0x4  }
0x38: {  	v61 =	vshrl.u32 v3, $0x3  }
0x39: {  	v4 =	vmul.u32 $0x30, v61  }
0x3a: {  	v3 =	vand.u32 $0x7, v3  }
0x3b: {  	v3 =	vor.u32 v3, v4  }
0x3c: {  	v4 =	vperm.xlane v3, v0;
	_ =	sdelay $0x1  }
0x3d: {  	v4 =	vadd.s32 v1, v4;
	_ =	sdelay $0x3  }
0x3e: {  	v3 =	vperm.xlane v3, v2  }
0x3f: {  	[hbm4b:s3+s2] =	stream.indirect_vreg.scatter [tilespmem:s12], [sflag:$0x1], $0x80, v4, vm0, $0xb8;
	[tilespmem:$0xE080] =	vst v63  }
0x40: {  	v3 =	vadd.s32 v1, v3  }
0x41: {  	[hbm4b:s4+s2] =	stream.indirect_vreg.scatter [tilespmem:s13], [sflag:$0x1], $0x80, v4, vm0, $0xb8;
	[tilespmem:$0xE080] =	vst v63  }
0x42: {  	_ = 	snop  }
0x43: {  	[hbm4b:s5+s2] =	stream.indirect_vreg.scatter [tilespmem:s14], [sflag:$0x1], $0x80, v4, vm0, $0xb8;
	[tilespmem:$0xE080] =	vst v63  }
0x44: {  	_ = 	snop  }
0x45: {  	[hbm4b:s3+s2] =	stream.indirect_vreg.scatter [tilespmem:s15], [sflag:$0x1], $0x80, v3, vm0, $0xb8;
	[tilespmem:$0xE080] =	vst v63  }
0x46: {  	_ = 	snop  }
0x47: {  	[hbm4b:s4+s2] =	stream.indirect_vreg.scatter [tilespmem:s16], [sflag:$0x1], $0x80, v3, vm0, $0xb8;
	[tilespmem:$0xE080] =	vst v63  }
0x48: {  	_ = 	snop  }
0x49: {  	[hbm4b:s5+s2] =	stream.indirect_vreg.scatter [tilespmem:s17], [sflag:$0x1], $0x80, v3, vm0, $0xb8;
	[tilespmem:$0xE080] =	vst v63  }
0x4a: {  	v3 =	vld [tilespmem:$0x20];
	_ =	sdelay $0x4  }
0x4b: {  	v62 =	vshrl.u32 v3, $0x3  }
0x4c: {  	v4 =	vmul.u32 $0x30, v62  }
0x4d: {  	v3 =	vand.u32 $0x7, v3  }
0x4e: {  	v3 =	vor.u32 v3, v4  }
0x4f: {  	v4 =	vperm.xlane v3, v0;
	_ =	sdelay $0x1  }
0x50: {  	v4 =	vadd.s32 v1, v4;
	_ =	sdelay $0x3  }
0x51: {  	v3 =	vperm.xlane v3, v2  }
0x52: {  	[hbm4b:s3+s2] =	stream.indirect_vreg.scatter [tilespmem:s18], [sflag:$0x1], $0x80, v4, vm0, $0xb8;
	[tilespmem:$0xE080] =	vst v63  }
0x53: {  	v3 =	vadd.s32 v1, v3  }
0x54: {  	[hbm4b:s4+s2] =	stream.indirect_vreg.scatter [tilespmem:s19], [sflag:$0x1], $0x80, v4, vm0, $0xb8;
	[tilespmem:$0xE080] =	vst v63  }
0x55: {  	_ = 	snop  }
0x56: {  	[hbm4b:s5+s2] =	stream.indirect_vreg.scatter [tilespmem:s20], [sflag:$0x1], $0x80, v4, vm0, $0xb8;
	[tilespmem:$0xE080] =	vst v63  }
0x57: {  	_ = 	snop  }
0x58: {  	[hbm4b:s3+s2] =	stream.indirect_vreg.scatter [tilespmem:s21], [sflag:$0x1], $0x80, v3, vm0, $0xb8;
	[tilespmem:$0xE080] =	vst v63  }
0x59: {  	_ = 	snop  }
0x5a: {  	[hbm4b:s4+s2] =	stream.indirect_vreg.scatter [tilespmem:s22], [sflag:$0x1], $0x80, v3, vm0, $0xb8;
	[tilespmem:$0xE080] =	vst v63  }
0x5b: {  	_ = 	snop  }
0x5c: {  	[hbm4b:s5+s2] =	stream.indirect_vreg.scatter [tilespmem:s23], [sflag:$0x1], $0x80, v3, vm0, $0xb8;
	[tilespmem:$0xE080] =	vst v63  }
0x5d: {  	v3 =	vld [tilespmem:$0x30];
	_ =	sdelay $0x4  }
0x5e: {  	v63 =	vshrl.u32 v3, $0x3  }
0x5f: {  	v4 =	vmul.u32 $0x30, v63  }
0x60: {  	v3 =	vand.u32 $0x7, v3  }
0x61: {  	v3 =	vor.u32 v3, v4  }
0x62: {  	v4 =	vperm.xlane v3, v0;
	_ =	sdelay $0x1  }
0x63: {  	v4 =	vadd.s32 v1, v4;
	_ =	sdelay $0x3  }
0x64: {  	v3 =	vperm.xlane v3, v2  }
0x65: {  	[hbm4b:s3+s2] =	stream.indirect_vreg.scatter [tilespmem:s24], [sflag:$0x1], $0x80, v4, vm0, $0xb8;
	[tilespmem:$0xE080] =	vst v63  }
0x66: {  	v3 =	vadd.s32 v1, v3  }
0x67: {  	[hbm4b:s4+s2] =	stream.indirect_vreg.scatter [tilespmem:s25], [sflag:$0x1], $0x80, v4, vm0, $0xb8;
	[tilespmem:$0xE080] =	vst v63  }
0x68: {  	_ = 	snop  }
0x69: {  	[hbm4b:s5+s2] =	stream.indirect_vreg.scatter [tilespmem:s26], [sflag:$0x1], $0x80, v4, vm0, $0xb8;
	[tilespmem:$0xE080] =	vst v63  }
0x6a: {  	_ = 	snop  }
0x6b: {  	[hbm4b:s3+s2] =	stream.indirect_vreg.scatter [tilespmem:s28], [sflag:$0x1], $0x80, v3, vm0, $0xb8;
	[tilespmem:$0xE080] =	vst v63  }
0x6c: {  	_ = 	snop  }
0x6d: {  	[hbm4b:s4+s2] =	stream.indirect_vreg.scatter [tilespmem:s29], [sflag:$0x1], $0x80, v3, vm0, $0xb8;
	[tilespmem:$0xE080] =	vst v63  }
0x6e: {  	_ = 	snop  }
0x6f: {  	[hbm4b:s5+s2] =	stream.indirect_vreg.scatter [tilespmem:s30], [sflag:$0x1], $0x80, v3, vm0, $0xb8;
	[tilespmem:$0xE080] =	vst v63  }
0x70: {  	_ =	swait.ge [sflag:s31], $0xC000  }
0x71: {  	p0 =	sne.s32 s6, $0x1;
	[sflag:s31] =	ssyncset.done $0x0  }
.Ltmp0:
0x72: {  	s10 =	rddreg [dreg:$0x4];
	[sflag:s31] =	ssyncadd.s32 $0xFFFF4000;
	(pc) =	sbr.rel @p0 .LBB2_1-.Ltmp0, $4  }
0x73: {  	[hbm4b:s10+s0] =	stream.indirect.scatter [tilespmem:s9], [sflag:$0x1], $0x80, s2, s0, $0xb8;
	[tilespmem:$0xE080] =	vst v63  }
0x74: {  	_ =	swait.ge [sflag:s31], $0x2000  }
0x75: {  	[sflag:s31] =	ssyncset.done $0x0  }
0x76: {  	s6 =	sadd.s32 $0xFFFFFFFF, s6;
	[sflag:s31] =	ssyncadd.s32 $0xFFFFE000  }
0x77: {  	_ =	sfence.sel $0x180000  }
0x78: {  	[bflag:$0x0] =	sbarrier.arrive $0xFFFF  }
0x79: {  	_ =	strace $0x90000047  }
0x7a: {  	s0 =	stileid.u32;
	[bflag:$0x2] =	sbarrier.arrive $0xFFFF  }
0x7b: {  	p0 =	sne.s32 s0, $0x0;
	s0 =	rddreg [dreg:$0x3]  }
0x7c: {  	s0 =	sadd.s32 @!p0 $0x100000, s0  }
0x7d: {  	[sflag:s0] =	ssyncadd.tile.s32 @!p0 $0x1;
	_ =	shalt  }
.Lfunc_end2:
_tile_overlayer_lowered:
.L_overlay_start_2:
0x7e: {  	(tag) =	ssettag $0x2  }
0x7f: {  	s0 =	rddreg [dreg:$0x0];
	s2 =	stileid.u32  }
0x80: {  	s1 =	rddreg [dreg:$0x1];
	p0 =	sne.s32 s2, $0x0  }
0x81: {  	s3 =	rddreg [dreg:$0x2];
	[bflag:$0x3] =	sbarrier.arrive $0xFFFF;
	s2 =	simm.s32 @!p0 $0x1C02  }
0x82: {  	[timem:s3], [sflag:s2] =	dma.local @!p0 [hbm:s0], s1  }
0x83: {  	s0 =	simm.s32 @!p0 $0x2  }
0x84: {  	_ =	swait.ge @!p0 [sflag:s0], s1  }
0x85: {  	s1 =	ssub.s32 @!p0 $0x0, s1;
	[sflag:s0] =	ssyncset.done @!p0 $0x0  }
0x86: {  	[sflag:s0] =	ssyncadd.s32 @!p0 s1  }
0x87: {  	[bflag:$0x3] =	sbarrier.arrive $0xFFFF  }
0x88: {  	_ =	shalt  }

// kernel: kernel.9.cloned.1.call-start
scs
__scs_entry_jumppad:
0x0: {  	(pc) =	sbr.rel $0x88, $3  }
0x1: {  	(tag) =	ssettag $0x0;
	lr =	simm.s32 $0x1  }
0x2: {  	[smem:$0x3F9A] =	sst lr;
	_ =	strace $0xD0000000  }
0x3: {  	_ = 	snop  }
0x4: {  	_ = 	snop  }
0x5: {  	_ = 	snop  }
0x6: {  	_ = 	snop  }
0x7: {  	_ = 	snop  }
__scs_overlays_trampoline_lowered:
0x8: {  	[smem:$0x3FA9] =	sst s0  }
0x9: {  	[smem:$0x3FAA] =	sst s1  }
0xa: {  	[smem:$0x3FAB] =	sst s2  }
0xb: {  	[smem:$0x3FAC] =	sst s3  }
0xc: {  	[smem:$0x3FAD] =	sst s4  }
0xd: {  	[smem:$0x3FAE] =	sst s5  }
0xe: {  	[smem:$0x3FAF] =	sst s6  }
0xf: {  	[smem:$0x3FB0] =	sst s7  }
0x10: {  	[smem:$0x3FB1] =	sst s8  }
0x11: {  	[smem:$0x3FB2] =	sst s9;
	s0 =	simm.s32 @!p0 $0x0  }
0x12: {  	s1 =	sld [smem:$0x3F98];
	s0 =	simm.s32 @p0 $0x1  }
0x13: {  	[smem:$0x3FB3] =	sst s0;
	s0 =	simm.s32 @!p1 $0x0  }
0x14: {  	s2 =	sld [smem:$0x3F97];
	s0 =	simm.s32 @p1 $0x1  }
0x15: {  	[smem:$0x3FB4] =	sst s0;
	s0 =	simm.s32 @!p2 $0x0  }
0x16: {  	s3 =	sld [smem:$0x3FDB];
	s0 =	simm.s32 @p2 $0x1  }
0x17: {  	s4 =	simm.s32 $0x1BF5;
	[smem:$0x3FB6] =	sst s0  }
0x18: {  	s0 =	sld [smem:$0x3F99];
	_ =	swait.ge [sflag:s4], $0x0  }
0x19: {  	s7 =	sld [smem:$0x3F9A]  }
0x1a: {  	s8 =	sadd.s32 $0xFFFFE003, lr  }
0x1b: {  	s9 =	sadd.s32 $0xFFFFFEF7, lr;
	s5 =	simm.s32 $0xFFFFFFFF;
	p2 =	slt.u32 s8, $0xFFFFF086  }
0x1c: {  	p1 =	slt.u32 s9, $0xF7A;
	s5 =	simm.s32 @!p2 $0x0  }
0x1d: {  	s5 =	simm.s32 @p1 $0x1;
	p0 =	seq.s32 s7, s2  }
0x1e: {  	s7 =	smul.u32 @!p0 $0xF7A, s2;
	p2 =	seq.s32 @!p0 s5, $0x0  }
0x1f: {  	s9 =	smul.u32 $0xF7A, s1;
	s8 =	simm.s32 @!p0 $0x1BF5;
	p2 =	por !p2, p0  }
0x20: {  	[sflag:s8] =	ssyncset.s32 @!p0 $0xFFFFF086;
	s6 =	sadd.s32 @!p0 s3, s7;
	s7 =	simm.s32 @!p0 $0x108  }
0x21: {  	s3 =	sadd.s32 s3, s9;
	s6 =	sadd.s32 @!p0 $0x88, s6;
	s7 =	simm.s32 @p2 $0x1082  }
0x22: {  	[simem:s7], [sflag:s8] =	dma.local @!p0 [hbm:s6], $0xF7A  }
0x23: {  	s9 =	sor.u32 $0xD0000000, s2;
	s6 =	simm.s32 $0x108;
	_ =	swait.ge @!p0 [sflag:s8], $0x0  }
0x24: {  	s3 =	sadd.s32 $0x88, s3;
	s6 =	simm.s32 @!p1 $0x1082;
	[sflag:s4] =	ssyncset.s32 $0xFFFFF086  }
0x25: {  	[simem:s6], [sflag:s4] =	dma.local [hbm:s3], $0xF7A  }
0x26: {  	[smem:$0x3F9A] =	sst s1;
	(tag) =	ssettag s2;
	_ =	strace s9  }
0x27: {  	s1 =	sld [smem:$0x3FAA]  }
0x28: {  	s2 =	sld [smem:$0x3FAB]  }
0x29: {  	s4 =	sld [smem:$0x3FAD]  }
0x2a: {  	p0 =	seq.s32 s5, $0x0;
	s5 =	sld [smem:$0x3FAE]  }
0x2b: {  	s6 =	sld [smem:$0x3FAF]  }
0x2c: {  	s7 =	sld [smem:$0x3FB0]  }
0x2d: {  	s3 =	simm.s32 $0x108;
	s8 =	sld [smem:$0x3FB1]  }
0x2e: {  	s3 =	simm.s32 @!p0 $0x1082;
	s9 =	sld [smem:$0x3FB2]  }
0x2f: {  	lr =	sadd.s32 s0, s3;
	s0 =	sld [smem:$0x3FA9]  }
0x30: {  	s3 =	sld [smem:$0x3FAC]  }
0x31: {  	[smem:$0x3FB5] =	sst s10  }
0x32: {  	s10 =	sld [smem:$0x3FB3];
	_ =	sdelay $0x3  }
0x33: {  	p0 =	seq.s32 s10, $0x1;
	s10 =	sld [smem:$0x3FB5];
	_ =	sdelay $0x3  }
0x34: {  	[smem:$0x3FB5] =	sst s10  }
0x35: {  	s10 =	sld [smem:$0x3FB4];
	_ =	sdelay $0x3  }
0x36: {  	p1 =	seq.s32 s10, $0x1;
	s10 =	sld [smem:$0x3FB5];
	_ =	sdelay $0x3  }
0x37: {  	[smem:$0x3FB5] =	sst s10  }
0x38: {  	s10 =	sld [smem:$0x3FB6]  }
0x39: {  	_ = 	snop;
	(pc) =	sbr.ind lr, $3  }
0x3a: {  	_ = 	snop  }
0x3b: {  	_ = 	snop  }
0x3c: {  	p2 =	seq.s32 s10, $0x1;
	s10 =	sld [smem:$0x3FB5]  }
0x3d: {  	_ =	shalt  }
0x3e: {  	_ =	shalt  }
0x3f: {  	_ =	shalt  }
0x40: {  	_ =	shalt  }
0x41: {  	_ =	shalt  }
0x42: {  	_ =	shalt  }
0x43: {  	_ =	shalt  }
0x44: {  	_ =	shalt  }
0x45: {  	_ =	shalt  }
0x46: {  	_ =	shalt  }
0x47: {  	_ =	shalt  }
0x48: {  	_ =	shalt  }
0x49: {  	_ =	shalt  }
0x4a: {  	_ =	shalt  }
0x4b: {  	_ =	shalt  }
0x4c: {  	_ =	shalt  }
0x4d: {  	_ =	shalt  }
0x4e: {  	_ =	shalt  }
0x4f: {  	_ =	shalt  }
0x50: {  	_ =	shalt  }
0x51: {  	_ =	shalt  }
0x52: {  	_ =	shalt  }
0x53: {  	_ =	shalt  }
0x54: {  	_ =	shalt  }
0x55: {  	_ =	shalt  }
0x56: {  	_ =	shalt  }
0x57: {  	_ =	shalt  }
0x58: {  	_ =	shalt  }
0x59: {  	_ =	shalt  }
0x5a: {  	_ =	shalt  }
0x5b: {  	_ =	shalt  }
0x5c: {  	_ =	shalt  }
0x5d: {  	_ =	shalt  }
0x5e: {  	_ =	shalt  }
0x5f: {  	_ =	shalt  }
0x60: {  	_ =	shalt  }
0x61: {  	_ =	shalt  }
0x62: {  	_ =	shalt  }
0x63: {  	_ =	shalt  }
0x64: {  	_ =	shalt  }
0x65: {  	_ =	shalt  }
0x66: {  	_ =	shalt  }
0x67: {  	_ =	shalt  }
0x68: {  	_ =	shalt  }
0x69: {  	_ =	shalt  }
0x6a: {  	_ =	shalt  }
0x6b: {  	_ =	shalt  }
0x6c: {  	_ =	shalt  }
0x6d: {  	_ =	shalt  }
0x6e: {  	_ =	shalt  }
0x6f: {  	_ =	shalt  }
0x70: {  	_ =	shalt  }
0x71: {  	_ =	shalt  }
0x72: {  	_ =	shalt  }
0x73: {  	_ =	shalt  }
0x74: {  	_ =	shalt  }
0x75: {  	_ =	shalt  }
0x76: {  	_ =	shalt  }
0x77: {  	_ =	shalt  }
0x78: {  	_ =	shalt  }
0x79: {  	_ =	shalt  }
0x7a: {  	_ =	shalt  }
0x7b: {  	_ =	shalt  }
0x7c: {  	_ =	shalt  }
0x7d: {  	_ =	shalt  }
0x7e: {  	_ =	shalt  }
0x7f: {  	_ =	shalt  }
0x80: {  	_ =	shalt  }
0x81: {  	_ =	shalt  }
0x82: {  	_ =	shalt  }
0x83: {  	_ =	shalt  }
0x84: {  	_ =	shalt  }
0x85: {  	_ =	shalt  }
0x86: {  	_ =	shalt  }
0x87: {  	_ =	shalt  }
.Lfunc_end0:
.L_simem_size_0:
called_computation.1_lowered:
.L_overlay_start_0:
0x88: {  	s2 =	sld [smem:$0x3FD9]  }
0x89: {  	s3 =	sld [smem:$0x3FFE];
	_ =	sdelay $0x1  }
0x8a: {  	s1 =	srdreg.scid  }
0x8b: {  	s0 =	sand.u32 $0x1, s1  }
0x8c: {  	s17 =	sshll.u32 s0, $0xA;
	s2 =	sadd.s32 s3, s2  }
0x8d: {  	s2 =	sadd.s32 s2, s17  }
0x8e: {  	[smem:$0x3FC1] =	sst s2  }
0x8f: {  	_ = 	snop  }
0x90: {  	s2 =	sld [smem:$0x3FD0];
	(tm) =	ssettm $0x1  }
0x91: {  	s18 =	sld [smem:$0x3FFB];
	_ =	sdelay $0x3  }
0x92: {  	_ =	strace s18  }
0x93: {  	s3 =	sld [smem:$0x3FFC];
	_ =	sdelay $0x3  }
0x94: {  	_ =	strace s3  }
0x95: {  	s3 =	sld [smem:$0x3FFD];
	_ =	sdelay $0x3  }
0x96: {  	_ =	strace s3  }
0x97: {  	_ =	strace $0x8FFFFFFF  }
0x98: {  	s19 =	sld [smem:$0x3FDB];
	_ =	sdelay $0x1  }
0x99: {  	s4 =	simm.s32 $_scs_section_size  }
0x9a: {  	s5 =	simm.s32 $_size__tile_overlayer_lowered;
	s6 =	simm.s32 $_tile_overlayer_lowered  }
0x9b: {  	s22 =	simm.s32 $0x1BFF;
	s21 =	sshll.u32 s6, $0x1;
	s3 =	sadd.s32 s4, s19  }
0x9c: {  	s7 =	simm.s32 $0x0;
	s20 =	sshll.u32 s5, $0x1;
	s5 =	sadd.s32 s21, s3  }
0x9d: {  	[timem:s7], [sflag:s22] =	dma.local [hbm:s5], s20  }
0x9e: {  	_ =	swait.ge [sflag:s22], s20  }
0x9f: {  	s4 =	ssub.s32 $0x0, s20;
	[sflag:s22] =	ssyncset.done $0x0  }
0xa0: {  	[sflag:s22] =	ssyncadd.s32 s4;
	_ =	sdelay $0x1  }
0xa1: {  	s23 =	simm.s32 $0x1B8B  }
0xa2: {  	_ =	swait.ge [sflag:s23], $0x1  }
0xa3: {  	[sflag:s23] =	ssyncset.done $0x0  }
0xa4: {  	s25 =	simm.s32 $0x1B8E;
	s24 =	sld [smem:$0x3FFE];
	[sflag:s23] =	ssyncadd.s32 $0xFFFFFFFF  }
0xa5: {  	s26 =	simm.s32 $execute0_lowered;
	[smem:$0x3FD2] =	sst s25  }
0xa6: {  	s5 =	sshll.u32 s26, $0x1;
	_ =	strace $0x80000049;
	[dreg:$0x1] =	wrdreg $0xFFFFFFFF  }
0xa7: {  	s28 =	simm.s32 $_size_execute0_lowered;
	s3 =	sadd.s32 s3, s5;
	[dreg:$0x0] =	wrdreg $0x0  }
0xa8: {  	s5 =	sshll.u32 s28, $0x1;
	[dreg:$0x2] =	wrdreg s3  }
0xa9: {  	[dreg:$0x3] =	wrdreg s5  }
0xaa: {  	[dreg:$0x4] =	wrdreg $0xC0  }
0xab: {  	_ =	task [dreg:s7], $0x5FFFF  }
0xac: {  	[dreg:$0x1] =	wrdreg $0xFFFFFFFF  }
0xad: {  	[dreg:$0x0] =	wrdreg $0x60  }
0xae: {  	[dreg:$0x2] =	wrdreg s24  }
0xaf: {  	[dreg:$0x3] =	wrdreg s2  }
0xb0: {  	[dreg:$0x4] =	wrdreg $0x9  }
0xb1: {  	_ =	task.clear_ibuf [dreg:s7], $0x5FFFF;
	_ =	strace $0x90000049  }
0xb2: {  	s29 =	simm.s32 $0x9;
	_ =	strace $0x8000004B  }
0xb3: {  	_ =	swait.ge [sflag:s29], $0x1  }
0xb4: {  	[sflag:s29] =	ssyncadd.s32 $0xFFFFFFFF  }
0xb5: {  	_ =	strace $0x9000004B  }
0xb6: {  	_ =	sfence  }
0xb7: {  	s30 =	sld [smem:$0x0];
	_ =	sdelay $0x2  }
0xb8: {  	s31 =	sshll.u32 s1, $0xD;
	s1 =	sshrl.u32 s1, $0x2  }
0xb9: {  	s3 =	sand.u32 $0x4000, s31;
	s1 =	sadd.s32 s1, s30  }
0xba: {  	s0 =	sor.u32 s3, s0;
	s1 =	sshll.u32 s1, $0x11  }
0xbb: {  	s0 =	sor.u32 s1, s0  }
0xbc: {  	s0 =	sadd.s32 $0x8F2B, s0  }
0xbd: {  	[sflag:s0] =	ssyncadd.remote.s32 $0x1  }
0xbe: {  	_ =	sfence.sel $0xFFFF  }
0xbf: {  	[dreg:$0x0] =	wrdreg $0xFFFFFFFF;
	(pc) =	sbr.abs _section_cstart, $3  }
0xc0: {  	[dreg:$0x1] =	wrdreg $0xFFFFFFFF  }
0xc1: {  	_ =	task.clear_ibuf [dreg:s7], $0x2FFFF;
	_ =	strace $0x9FFFFFFF  }
0xc2: {  	(tm) =	ssettm $0x7FFFFFFF  }
0xc3: {  	_ =	shalt  }
tec
execute0_lowered:
.L_overlay_start_1:
0x0: {  	(tag) =	ssettag $0x1  }
0x1: {  	s0 =	rddreg [dreg:$0x0]  }
0x2: {  	s5 =	rddreg [dreg:$0x1];
	s3 =	srdreg.scid  }
0x3: {  	s2 =	simm.s32 $0x0;
	s1 =	stileid.u32;
	s26 =	simm.s32 $0x880  }
0x4: {  	s10 =	simm.s32 $0x1880;
	s11 =	simm.s32 $0x2080;
	s12 =	simm.s32 $0x2880  }
0x5: {  	s13 =	simm.s32 $0x3080;
	s14 =	simm.s32 $0x3880;
	s15 =	simm.s32 $0x4080  }
0x6: {  	s16 =	simm.s32 $0x4880;
	s17 =	simm.s32 $0x5080;
	s18 =	simm.s32 $0x5880  }
0x7: {  	s19 =	simm.s32 $0x6080;
	s20 =	simm.s32 $0x6880;
	s21 =	simm.s32 $0x7080  }
0x8: {  	s22 =	simm.s32 $0x7880;
	s28 =	simm.s32 $0xA080;
	s29 =	simm.s32 $0xA880  }
0x9: {  	s30 =	simm.s32 $0xB080;
	s31 =	simm.s32 $0xB880;
	s3 =	sand.u32 $0x1, s3  }
0xa: {  	[smem:$0x7FF] =	sst s2;
	s4 =	sshll.u32 s1, $0x4;
	s6 =	sshll.u32 s3, $0x3  }
0xb: {  	_ =	strace $0x8000004A;
	s23 =	ssub.s32 $0x2, s3;
	s3 =	sadd.s32 $0x9E00, s0  }
0xc: {  	[dreg:$0x5] =	wrdreg s26;
	s26 =	simm.s32 $0x9880;
	s4 =	sor.u32 s6, s4  }
0xd: {  	s8 =	sshrl.u32 s23, $0x1;
	s7 =	sadd.s32 s4, s0;
	s9 =	smul.u32 $0x300, s4  }
0xe: {  	s6 =	ssub.s32 s23, s8;
	s4 =	sadd.s32 $0x9F00, s0;
	s8 =	simm.s32 $0x80  }
0xf: {  	s23 =	simm.s32 $0x8080;
	s24 =	sadd.s32 $0x9C00, s7;
	s6 =	smax.u32 s6, $0x1  }
0x10: {  	v2 =	vlaneseq.u32;
	s7 =	simm.s32 $0x2;
	[dreg:$0x3] =	wrdreg s24;
	s25 =	sadd.s32 s5, s9  }
0x11: {  	vm0 =	vmmov $0xffff;
	v1 =	vshrl.u32 v2, $0x3;
	s5 =	sadd.s32 $0xA000, s0;
	s9 =	simm.s32 $0x1080;
	s24 =	simm.s32 $0x8880  }
0x12: {  	v0 =	vand.u32 $0x7, v2;
	v2 =	vor.u32 $0x8, v2;
	v1 =	vmul.u32 $0x8, v1;
	s0 =	simm.s32 $0x1;
	[dreg:$0x4] =	wrdreg s25;
	s25 =	simm.s32 $0x9080  }
.LBB2_1:
0x13: {  	s1 =	rddreg [dreg:$0x3]  }
0x14: {  	[tilespmem:s2], [sflag:$0x2] =	stream.linear.gather [hbm4b:s1+s2], $0x40, $0x38;
	[tilespmem:$0xC080] =	vst v63  }
0x15: {  	_ =	swait.ge [sflag:s7], $0x40  }
0x16: {  	[sflag:s7] =	ssyncset.done $0x0  }
0x17: {  	[sflag:s7] =	ssyncadd.s32 $0xFFFFFFC0  }
0x18: {  	v3 =	vld [tilespmem:$0x0];
	_ =	sdelay $0x4  }
0x19: {  	v4 =	vshrl.u32 v3, $0x3  }
0x1a: {  	v4 =	vmul.u32 $0x30, v4  }
0x1b: {  	v3 =	vand.u32 $0x7, v3  }
0x1c: {  	v3 =	vor.u32 v3, v4  }
0x1d: {  	v4 =	vperm.xlane v3, v0;
	_ =	sdelay $0x1  }
0x1e: {  	v4 =	vadd.s32 v1, v4;
	_ =	sdelay $0x3  }
0x1f: {  	v3 =	vperm.xlane v3, v2  }
0x20: {  	[tilespmem:s8], [sflag:$0x1] =	stream.indirect_vreg.gather [hbm4b:s3+s2], $0x80, v4, vm0, $0xb8;
	[tilespmem:$0xC080] =	vst v63  }
0x21: {  	s1 =	rddreg [dreg:$0x5];
	v3 =	vadd.s32 v1, v3  }
0x22: {  	[tilespmem:s1], [sflag:$0x1] =	stream.indirect_vreg.gather [hbm4b:s4+s2], $0x80, v4, vm0, $0xb8;
	[tilespmem:$0xC080] =	vst v63  }
0x23: {  	_ = 	snop  }
0x24: {  	[tilespmem:s9], [sflag:$0x1] =	stream.indirect_vreg.gather [hbm4b:s5+s2], $0x80, v4, vm0, $0xb8;
	[tilespmem:$0xC080] =	vst v63  }
0x25: {  	_ = 	snop  }
0x26: {  	[tilespmem:s10], [sflag:$0x1] =	stream.indirect_vreg.gather [hbm4b:s3+s2], $0x80, v3, vm0, $0xb8;
	[tilespmem:$0xC080] =	vst v63  }
0x27: {  	_ = 	snop  }
0x28: {  	[tilespmem:s11], [sflag:$0x1] =	stream.indirect_vreg.gather [hbm4b:s4+s2], $0x80, v3, vm0, $0xb8;
	[tilespmem:$0xC080] =	vst v63  }
0x29: {  	_ = 	snop  }
0x2a: {  	[tilespmem:s12], [sflag:$0x1] =	stream.indirect_vreg.gather [hbm4b:s5+s2], $0x80, v3, vm0, $0xb8;
	[tilespmem:$0xC080] =	vst v63  }
0x2b: {  	v3 =	vld [tilespmem:$0x10];
	_ =	sdelay $0x4  }
0x2c: {  	v61 =	vshrl.u32 v3, $0x3  }
0x2d: {  	v4 =	vmul.u32 $0x30, v61  }
0x2e: {  	v3 =	vand.u32 $0x7, v3  }
0x2f: {  	v3 =	vor.u32 v3, v4  }
0x30: {  	v4 =	vperm.xlane v3, v0;
	_ =	sdelay $0x1  }
0x31: {  	v4 =	vadd.s32 v1, v4;
	_ =	sdelay $0x3  }
0x32: {  	v3 =	vperm.xlane v3, v2  }
0x33: {  	[tilespmem:s13], [sflag:$0x1] =	stream.indirect_vreg.gather [hbm4b:s3+s2], $0x80, v4, vm0, $0xb8;
	[tilespmem:$0xC080] =	vst v63  }
0x34: {  	v3 =	vadd.s32 v1, v3  }
0x35: {  	[tilespmem:s14], [sflag:$0x1] =	stream.indirect_vreg.gather [hbm4b:s4+s2], $0x80, v4, vm0, $0xb8;
	[tilespmem:$0xC080] =	vst v63  }
0x36: {  	_ = 	snop  }
0x37: {  	[tilespmem:s15], [sflag:$0x1] =	stream.indirect_vreg.gather [hbm4b:s5+s2], $0x80, v4, vm0, $0xb8;
	[tilespmem:$0xC080] =	vst v63  }
0x38: {  	_ = 	snop  }
0x39: {  	[tilespmem:s16], [sflag:$0x1] =	stream.indirect_vreg.gather [hbm4b:s3+s2], $0x80, v3, vm0, $0xb8;
	[tilespmem:$0xC080] =	vst v63  }
0x3a: {  	_ = 	snop  }
0x3b: {  	[tilespmem:s17], [sflag:$0x1] =	stream.indirect_vreg.gather [hbm4b:s4+s2], $0x80, v3, vm0, $0xb8;
	[tilespmem:$0xC080] =	vst v63  }
0x3c: {  	_ = 	snop  }
0x3d: {  	[tilespmem:s18], [sflag:$0x1] =	stream.indirect_vreg.gather [hbm4b:s5+s2], $0x80, v3, vm0, $0xb8;
	[tilespmem:$0xC080] =	vst v63  }
0x3e: {  	v3 =	vld [tilespmem:$0x20];
	_ =	sdelay $0x4  }
0x3f: {  	v62 =	vshrl.u32 v3, $0x3  }
0x40: {  	v4 =	vmul.u32 $0x30, v62  }
0x41: {  	v3 =	vand.u32 $0x7, v3  }
0x42: {  	v3 =	vor.u32 v3, v4  }
0x43: {  	v4 =	vperm.xlane v3, v0;
	_ =	sdelay $0x1  }
0x44: {  	v4 =	vadd.s32 v1, v4;
	_ =	sdelay $0x3  }
0x45: {  	v3 =	vperm.xlane v3, v2  }
0x46: {  	[tilespmem:s19], [sflag:$0x1] =	stream.indirect_vreg.gather [hbm4b:s3+s2], $0x80, v4, vm0, $0xb8;
	[tilespmem:$0xC080] =	vst v63  }
0x47: {  	v3 =	vadd.s32 v1, v3  }
0x48: {  	[tilespmem:s20], [sflag:$0x1] =	stream.indirect_vreg.gather [hbm4b:s4+s2], $0x80, v4, vm0, $0xb8;
	[tilespmem:$0xC080] =	vst v63  }
0x49: {  	_ = 	snop  }
0x4a: {  	[tilespmem:s21], [sflag:$0x1] =	stream.indirect_vreg.gather [hbm4b:s5+s2], $0x80, v4, vm0, $0xb8;
	[tilespmem:$0xC080] =	vst v63  }
0x4b: {  	_ = 	snop  }
0x4c: {  	[tilespmem:s22], [sflag:$0x1] =	stream.indirect_vreg.gather [hbm4b:s3+s2], $0x80, v3, vm0, $0xb8;
	[tilespmem:$0xC080] =	vst v63  }
0x4d: {  	_ = 	snop  }
0x4e: {  	[tilespmem:s23], [sflag:$0x1] =	stream.indirect_vreg.gather [hbm4b:s4+s2], $0x80, v3, vm0, $0xb8;
	[tilespmem:$0xC080] =	vst v63  }
0x4f: {  	_ = 	snop  }
0x50: {  	[tilespmem:s24], [sflag:$0x1] =	stream.indirect_vreg.gather [hbm4b:s5+s2], $0x80, v3, vm0, $0xb8;
	[tilespmem:$0xC080] =	vst v63  }
0x51: {  	v3 =	vld [tilespmem:$0x30];
	_ =	sdelay $0x4  }
0x52: {  	v63 =	vshrl.u32 v3, $0x3  }
0x53: {  	v4 =	vmul.u32 $0x30, v63  }
0x54: {  	v3 =	vand.u32 $0x7, v3  }
0x55: {  	v3 =	vor.u32 v3, v4  }
0x56: {  	v4 =	vperm.xlane v3, v0;
	_ =	sdelay $0x1  }
0x57: {  	v4 =	vadd.s32 v1, v4;
	_ =	sdelay $0x3  }
0x58: {  	v3 =	vperm.xlane v3, v2  }
0x59: {  	[tilespmem:s25], [sflag:$0x1] =	stream.indirect_vreg.gather [hbm4b:s3+s2], $0x80, v4, vm0, $0xb8;
	[tilespmem:$0xC080] =	vst v63  }
0x5a: {  	v3 =	vadd.s32 v1, v3  }
0x5b: {  	[tilespmem:s26], [sflag:$0x1] =	stream.indirect_vreg.gather [hbm4b:s4+s2], $0x80, v4, vm0, $0xb8;
	[tilespmem:$0xC080] =	vst v63  }
0x5c: {  	_ = 	snop  }
0x5d: {  	[tilespmem:s28], [sflag:$0x1] =	stream.indirect_vreg.gather [hbm4b:s5+s2], $0x80, v4, vm0, $0xb8;
	[tilespmem:$0xC080] =	vst v63  }
0x5e: {  	_ = 	snop  }
0x5f: {  	[tilespmem:s29], [sflag:$0x1] =	stream.indirect_vreg.gather [hbm4b:s3+s2], $0x80, v3, vm0, $0xb8;
	[tilespmem:$0xC080] =	vst v63  }
0x60: {  	_ = 	snop  }
0x61: {  	[tilespmem:s30], [sflag:$0x1] =	stream.indirect_vreg.gather [hbm4b:s4+s2], $0x80, v3, vm0, $0xb8;
	[tilespmem:$0xC080] =	vst v63  }
0x62: {  	_ = 	snop  }
0x63: {  	[tilespmem:s31], [sflag:$0x1] =	stream.indirect_vreg.gather [hbm4b:s5+s2], $0x80, v3, vm0, $0xb8;
	[tilespmem:$0xC080] =	vst v63  }
0x64: {  	_ =	swait.ge [sflag:s0], $0xC000  }
0x65: {  	p0 =	sne.s32 s6, $0x1;
	[sflag:s0] =	ssyncset.done $0x0  }
.Ltmp0:
0x66: {  	s1 =	rddreg [dreg:$0x4];
	[sflag:s0] =	ssyncadd.s32 $0xFFFF4000;
	(pc) =	sbr.rel @p0 .LBB2_1-.Ltmp0, $4  }
0x67: {  	[hbm4b:s1+s2] =	stream.linear.scatter [tilespmem:s8], [sflag:$0x2], $0xC000, $0x38;
	[tilespmem:$0xC080] =	vst v63  }
0x68: {  	_ =	swait.ge [sflag:s7], $0xC000  }
0x69: {  	[sflag:s7] =	ssyncset.done $0x0  }
0x6a: {  	s6 =	sadd.s32 $0xFFFFFFFF, s6;
	[sflag:s7] =	ssyncadd.s32 $0xFFFF4000  }
0x6b: {  	_ =	sfence.sel $0x180000  }
0x6c: {  	[bflag:$0x0] =	sbarrier.arrive $0xFFFF  }
0x6d: {  	_ =	strace $0x9000004A  }
0x6e: {  	s0 =	stileid.u32;
	[bflag:$0x2] =	sbarrier.arrive $0xFFFF  }
0x6f: {  	p0 =	sne.s32 s0, $0x0;
	s0 =	rddreg [dreg:$0x2]  }
0x70: {  	s0 =	sadd.s32 @!p0 $0x100000, s0  }
0x71: {  	[sflag:s0] =	ssyncadd.tile.s32 @!p0 $0x1;
	_ =	shalt  }
.Lfunc_end2:
_tile_overlayer_lowered:
.L_overlay_start_2:
0x72: {  	(tag) =	ssettag $0x2  }
0x73: {  	s0 =	rddreg [dreg:$0x0];
	s2 =	stileid.u32  }
0x74: {  	s1 =	rddreg [dreg:$0x1];
	p0 =	sne.s32 s2, $0x0  }
0x75: {  	s3 =	rddreg [dreg:$0x2];
	[bflag:$0x3] =	sbarrier.arrive $0xFFFF;
	s2 =	simm.s32 @!p0 $0x1C02  }
0x76: {  	[timem:s3], [sflag:s2] =	dma.local @!p0 [hbm:s0], s1  }
0x77: {  	s0 =	simm.s32 @!p0 $0x2  }
0x78: {  	_ =	swait.ge @!p0 [sflag:s0], s1  }
0x79: {  	s1 =	ssub.s32 @!p0 $0x0, s1;
	[sflag:s0] =	ssyncset.done @!p0 $0x0  }
0x7a: {  	[sflag:s0] =	ssyncadd.s32 @!p0 s1  }
0x7b: {  	[bflag:$0x3] =	sbarrier.arrive $0xFFFF  }
0x7c: {  	_ =	shalt  }

</sc_bundles>
